<compile_context>
chip_gen: v7x
topology: tpu7x:2x2x1
jax: 0.10.2.dev20260603
libtpu: 0.0.44.dev20260713+nightly
codegen_flags: <defaults>
</compile_context>

<pallas_src>
import functools

import jax
import jax.numpy as jnp
from jax import lax
from jax.experimental import pallas as pl
from jax.experimental.pallas import tpu as pltpu
from jax.experimental.pallas import tpu_sc as plsc

_L = 16384
_D = 128
_NC = 2
_NS = 16
_NW = _NC * _NS
_BPW = _L // _NW
_CH = 64
_NCHUNK = _BPW // _CH


@functools.partial(
    pl.kernel,
    out_type=jax.ShapeDtypeStruct((_NW, _D), jnp.float32),
    mesh=plsc.VectorSubcoreMesh(
        core_axis_name="c", subcore_axis_name="s",
        num_cores=_NC, num_subcores=_NS,
    ),
    scratch_types=[
        pltpu.VMEM((_BPW,), jnp.int32),
        pltpu.VMEM((_BPW, _D), jnp.float32),
        pltpu.VMEM((_D,), jnp.float32),
        [pltpu.SemaphoreType.DMA] * _NCHUNK,
    ],
)
def _emb_bag_sum(words_hbm, table_hbm, out_hbm, idx_v, rows_v, acc_v, sems):
    wid = lax.axis_index("c") * _NS + lax.axis_index("s")
    base = wid * _BPW

    pltpu.sync_copy(words_hbm.at[pl.ds(base, _BPW)], idx_v)

    copies = [
        pltpu.async_copy(
            table_hbm.at[idx_v.at[pl.ds(k * _CH, _CH)]],
            rows_v.at[pl.ds(k * _CH, _CH)],
            sems[k],
        )
        for k in range(_NCHUNK)
    ]

    accs = tuple(jnp.zeros((16,), jnp.float32) for _ in range(8))
    for k in range(_NCHUNK):
        copies[k].wait()

        @plsc.parallel_loop(k * _CH, (k + 1) * _CH, carry=accs)
        def accs(r, accs):
            return tuple(
                accs[j] + rows_v[r, pl.ds(j * 16, 16)] for j in range(8)
            )

    for j in range(8):
        acc_v[pl.ds(j * 16, 16)] = accs[j]

    pltpu.sync_copy(acc_v, out_hbm.at[wid])


def kernel(words, emb_weight, bias):
    partials = _emb_bag_sum(words.astype(jnp.int32), emb_weight)
    return (jnp.sum(partials, axis=0) + bias).reshape(1, -1)

# --- scband reference (transcript-rebuilt; emitter-appended) ---
"""Pipeline reference for scband-bo-w-12352325944074 (READ-ONLY COPY).

The authoritative reference and input builder live on the scoring server;
editing this copy changes nothing except your own understanding.
"""

import jax, jax.numpy as jnp
import numpy as np

NWORDS = 100000
NTAGS = 128
L = 16384

def setup_inputs(seed: int = 0) -> dict:
    key = jax.random.key(seed)
    k_words, k_emb = jax.random.split(key)
    words = jax.random.randint(k_words, (L,), 0, NWORDS, dtype=jnp.int64 if jax.config.jax_enable_x64 else jnp.int32)
    # xavier uniform init for embedding weight [NWORDS, NTAGS]
    bound = float(np.sqrt(6.0 / (NWORDS + NTAGS)))
    emb_weight = jax.random.uniform(k_emb, (NWORDS, NTAGS), dtype=jnp.float32, minval=-bound, maxval=bound)
    bias = jnp.zeros((NTAGS,), dtype=jnp.float32)
    return {"words": words, "emb_weight": emb_weight, "bias": bias}

def reference(words, emb_weight, bias):
    emb = jnp.take(emb_weight, words, axis=0)  # [L, NTAGS] gather
    out = jnp.sum(emb, axis=0) + bias          # [NTAGS]
    out = out.reshape(1, -1)                   # [1, NTAGS]
    return out

if __name__ == "__main__":
    import jax
    _d = setup_inputs()
    print(jax.jit(kernel)(*tuple(_d.values())))

</pallas_src>

<mosaic_0001>
#map = affine_map<(d0, d1) -> (0)>
#map1 = affine_map<(d0, d1) -> (0, 0)>
module attributes {stable_mosaic.version = 14 : i64} {
  func.func @_emb_bag_sum(%arg0: i32, %arg1: i32, %arg2: memref<16384xi32, #tpu.memory_space<hbm>>, %arg3: memref<100000x128xf32, #tpu.memory_space<hbm>>, %arg4: memref<32x128xf32, #tpu.memory_space<hbm>>, %arg5: memref<512xi32, #tpu.memory_space<vmem>>, %arg6: memref<512x128xf32, #tpu.memory_space<vmem>>, %arg7: memref<128xf32, #tpu.memory_space<vmem>>, %arg8: memref<!tpu.dma_semaphore, #tpu.memory_space<semaphore_mem>>, %arg9: memref<!tpu.dma_semaphore, #tpu.memory_space<semaphore_mem>>, %arg10: memref<!tpu.dma_semaphore, #tpu.memory_space<semaphore_mem>>, %arg11: memref<!tpu.dma_semaphore, #tpu.memory_space<semaphore_mem>>, %arg12: memref<!tpu.dma_semaphore, #tpu.memory_space<semaphore_mem>>, %arg13: memref<!tpu.dma_semaphore, #tpu.memory_space<semaphore_mem>>, %arg14: memref<!tpu.dma_semaphore, #tpu.memory_space<semaphore_mem>>, %arg15: memref<!tpu.dma_semaphore, #tpu.memory_space<semaphore_mem>>) attributes {dimension_semantics = [#tpu.dimension_semantics<core_parallel>, #tpu.dimension_semantics<subcore_parallel>], iteration_bounds = array<i64: 2, 16>, scalar_prefetch = 0 : i64, scratch_operands = 11 : i64, tpu.core_type = #tpu.core_type<sc_vector_subcore>, window_params = [{transform_indices = #map}, {transform_indices = #map1}, {transform_indices = #map1}]} {
    %mul3A = arith.constant 16 : i32
    %mul3A_0 = arith.muli %arg0, %mul3A : i32
    %add3A = arith.addi %mul3A_0, %arg1 : i32
    %mul3A_1 = arith.constant 512 : i32
    %mul3A_2 = arith.muli %add3A, %mul3A_1 : i32
    "tpu.region"() ({
      %run_scoped3A = tpu.sem_alloc : memref<!tpu.dma_semaphore, #tpu.memory_space<semaphore_mem>>
      %dma_start3A_206 = tpu.memref_slice %arg2[%mul3A_2] : memref<16384xi32, #tpu.memory_space<hbm>> -> memref<512xi32, #tpu.memory_space<hbm>>
      %dma_start3A_207 = tpu.memref_slice %arg2[%mul3A_2] : memref<16384xi32, #tpu.memory_space<hbm>> -> memref<512xi32, #tpu.memory_space<hbm>>
      tpu.enqueue_dma source(%dma_start3A_207 : memref<512xi32, #tpu.memory_space<hbm>>) target(%arg5 : memref<512xi32, #tpu.memory_space<vmem>>) target_semaphore(%run_scoped3A : memref<!tpu.dma_semaphore, #tpu.memory_space<semaphore_mem>>)
      %dma_wait3A_208 = tpu.memref_slice %arg2[%mul3A_2] : memref<16384xi32, #tpu.memory_space<hbm>> -> memref<512xi32, #tpu.memory_space<hbm>>
      %dma_wait3A_209 = tpu.memref_slice %arg2[%mul3A_2] : memref<16384xi32, #tpu.memory_space<hbm>> -> memref<512xi32, #tpu.memory_space<hbm>>
      tpu.wait_dma2 semaphore(%run_scoped3A : memref<!tpu.dma_semaphore, #tpu.memory_space<semaphore_mem>>) src(%dma_wait3A_209 : memref<512xi32, #tpu.memory_space<hbm>>) dst(%arg5 : memref<512xi32, #tpu.memory_space<vmem>>)
      tpu.yield
    }) : () -> ()
    %dma_start3A = arith.constant 0 : i32
    %dma_start3A_3 = arith.constant 0 : i32
    %dma_start3A_4 = tpu.memref_slice %arg6[%dma_start3A, %dma_start3A_3] : memref<512x128xf32, #tpu.memory_space<vmem>> -> memref<64x128xf32, #tpu.memory_space<vmem>>
    %dma_start3A_5 = arith.constant 0 : i32
    %dma_start3A_6 = tpu.memref_slice %arg5[%dma_start3A_5] : memref<512xi32, #tpu.memory_space<vmem>> -> memref<64xi32, #tpu.memory_space<vmem>>
    %dma_start3A_7 = arith.constant 0 : i32
    %dma_start3A_8 = arith.constant 0 : i32
    %dma_start3A_9 = tpu.memref_slice %arg3[%dma_start3A_7, %dma_start3A_8] : memref<100000x128xf32, #tpu.memory_space<hbm>> -> memref<100000x128xf32, #tpu.memory_space<hbm>>
    tpu.enqueue_indirect_dma source(%dma_start3A_9 : memref<100000x128xf32, #tpu.memory_space<hbm>>) target(%dma_start3A_4 : memref<64x128xf32, #tpu.memory_space<vmem>>) offsets(%dma_start3A_6 : memref<64xi32, #tpu.memory_space<vmem>>) semaphore(%arg8 : memref<!tpu.dma_semaphore, #tpu.memory_space<semaphore_mem>>)
    %dma_start3A_10 = arith.constant 64 : i32
    %dma_start3A_11 = arith.constant 0 : i32
    %dma_start3A_12 = tpu.memref_slice %arg6[%dma_start3A_10, %dma_start3A_11] : memref<512x128xf32, #tpu.memory_space<vmem>> -> memref<64x128xf32, #tpu.memory_space<vmem>>
    %dma_start3A_13 = arith.constant 64 : i32
    %dma_start3A_14 = tpu.memref_slice %arg5[%dma_start3A_13] : memref<512xi32, #tpu.memory_space<vmem>> -> memref<64xi32, #tpu.memory_space<vmem>>
    %dma_start3A_15 = arith.constant 0 : i32
    %dma_start3A_16 = arith.constant 0 : i32
    %dma_start3A_17 = tpu.memref_slice %arg3[%dma_start3A_15, %dma_start3A_16] : memref<100000x128xf32, #tpu.memory_space<hbm>> -> memref<100000x128xf32, #tpu.memory_space<hbm>>
    tpu.enqueue_indirect_dma source(%dma_start3A_17 : memref<100000x128xf32, #tpu.memory_space<hbm>>) target(%dma_start3A_12 : memref<64x128xf32, #tpu.memory_space<vmem>>) offsets(%dma_start3A_14 : memref<64xi32, #tpu.memory_space<vmem>>) semaphore(%arg9 : memref<!tpu.dma_semaphore, #tpu.memory_space<semaphore_mem>>)
    %dma_start3A_18 = arith.constant 128 : i32
    %dma_start3A_19 = arith.constant 0 : i32
    %dma_start3A_20 = tpu.memref_slice %arg6[%dma_start3A_18, %dma_start3A_19] : memref<512x128xf32, #tpu.memory_space<vmem>> -> memref<64x128xf32, #tpu.memory_space<vmem>>
    %dma_start3A_21 = arith.constant 128 : i32
    %dma_start3A_22 = tpu.memref_slice %arg5[%dma_start3A_21] : memref<512xi32, #tpu.memory_space<vmem>> -> memref<64xi32, #tpu.memory_space<vmem>>
    %dma_start3A_23 = arith.constant 0 : i32
    %dma_start3A_24 = arith.constant 0 : i32
    %dma_start3A_25 = tpu.memref_slice %arg3[%dma_start3A_23, %dma_start3A_24] : memref<100000x128xf32, #tpu.memory_space<hbm>> -> memref<100000x128xf32, #tpu.memory_space<hbm>>
    tpu.enqueue_indirect_dma source(%dma_start3A_25 : memref<100000x128xf32, #tpu.memory_space<hbm>>) target(%dma_start3A_20 : memref<64x128xf32, #tpu.memory_space<vmem>>) offsets(%dma_start3A_22 : memref<64xi32, #tpu.memory_space<vmem>>) semaphore(%arg10 : memref<!tpu.dma_semaphore, #tpu.memory_space<semaphore_mem>>)
    %dma_start3A_26 = arith.constant 192 : i32
    %dma_start3A_27 = arith.constant 0 : i32
    %dma_start3A_28 = tpu.memref_slice %arg6[%dma_start3A_26, %dma_start3A_27] : memref<512x128xf32, #tpu.memory_space<vmem>> -> memref<64x128xf32, #tpu.memory_space<vmem>>
    %dma_start3A_29 = arith.constant 192 : i32
    %dma_start3A_30 = tpu.memref_slice %arg5[%dma_start3A_29] : memref<512xi32, #tpu.memory_space<vmem>> -> memref<64xi32, #tpu.memory_space<vmem>>
    %dma_start3A_31 = arith.constant 0 : i32
    %dma_start3A_32 = arith.constant 0 : i32
    %dma_start3A_33 = tpu.memref_slice %arg3[%dma_start3A_31, %dma_start3A_32] : memref<100000x128xf32, #tpu.memory_space<hbm>> -> memref<100000x128xf32, #tpu.memory_space<hbm>>
    tpu.enqueue_indirect_dma source(%dma_start3A_33 : memref<100000x128xf32, #tpu.memory_space<hbm>>) target(%dma_start3A_28 : memref<64x128xf32, #tpu.memory_space<vmem>>) offsets(%dma_start3A_30 : memref<64xi32, #tpu.memory_space<vmem>>) semaphore(%arg11 : memref<!tpu.dma_semaphore, #tpu.memory_space<semaphore_mem>>)
    %dma_start3A_34 = arith.constant 256 : i32
    %dma_start3A_35 = arith.constant 0 : i32
    %dma_start3A_36 = tpu.memref_slice %arg6[%dma_start3A_34, %dma_start3A_35] : memref<512x128xf32, #tpu.memory_space<vmem>> -> memref<64x128xf32, #tpu.memory_space<vmem>>
    %dma_start3A_37 = arith.constant 256 : i32
    %dma_start3A_38 = tpu.memref_slice %arg5[%dma_start3A_37] : memref<512xi32, #tpu.memory_space<vmem>> -> memref<64xi32, #tpu.memory_space<vmem>>
    %dma_start3A_39 = arith.constant 0 : i32
    %dma_start3A_40 = arith.constant 0 : i32
    %dma_start3A_41 = tpu.memref_slice %arg3[%dma_start3A_39, %dma_start3A_40] : memref<100000x128xf32, #tpu.memory_space<hbm>> -> memref<100000x128xf32, #tpu.memory_space<hbm>>
    tpu.enqueue_indirect_dma source(%dma_start3A_41 : memref<100000x128xf32, #tpu.memory_space<hbm>>) target(%dma_start3A_36 : memref<64x128xf32, #tpu.memory_space<vmem>>) offsets(%dma_start3A_38 : memref<64xi32, #tpu.memory_space<vmem>>) semaphore(%arg12 : memref<!tpu.dma_semaphore, #tpu.memory_space<semaphore_mem>>)
    %dma_start3A_42 = arith.constant 320 : i32
    %dma_start3A_43 = arith.constant 0 : i32
    %dma_start3A_44 = tpu.memref_slice %arg6[%dma_start3A_42, %dma_start3A_43] : memref<512x128xf32, #tpu.memory_space<vmem>> -> memref<64x128xf32, #tpu.memory_space<vmem>>
    %dma_start3A_45 = arith.constant 320 : i32
    %dma_start3A_46 = tpu.memref_slice %arg5[%dma_start3A_45] : memref<512xi32, #tpu.memory_space<vmem>> -> memref<64xi32, #tpu.memory_space<vmem>>
    %dma_start3A_47 = arith.constant 0 : i32
    %dma_start3A_48 = arith.constant 0 : i32
    %dma_start3A_49 = tpu.memref_slice %arg3[%dma_start3A_47, %dma_start3A_48] : memref<100000x128xf32, #tpu.memory_space<hbm>> -> memref<100000x128xf32, #tpu.memory_space<hbm>>
    tpu.enqueue_indirect_dma source(%dma_start3A_49 : memref<100000x128xf32, #tpu.memory_space<hbm>>) target(%dma_start3A_44 : memref<64x128xf32, #tpu.memory_space<vmem>>) offsets(%dma_start3A_46 : memref<64xi32, #tpu.memory_space<vmem>>) semaphore(%arg13 : memref<!tpu.dma_semaphore, #tpu.memory_space<semaphore_mem>>)
    %dma_start3A_50 = arith.constant 384 : i32
    %dma_start3A_51 = arith.constant 0 : i32
    %dma_start3A_52 = tpu.memref_slice %arg6[%dma_start3A_50, %dma_start3A_51] : memref<512x128xf32, #tpu.memory_space<vmem>> -> memref<64x128xf32, #tpu.memory_space<vmem>>
    %dma_start3A_53 = arith.constant 384 : i32
    %dma_start3A_54 = tpu.memref_slice %arg5[%dma_start3A_53] : memref<512xi32, #tpu.memory_space<vmem>> -> memref<64xi32, #tpu.memory_space<vmem>>
    %dma_start3A_55 = arith.constant 0 : i32
    %dma_start3A_56 = arith.constant 0 : i32
    %dma_start3A_57 = tpu.memref_slice %arg3[%dma_start3A_55, %dma_start3A_56] : memref<100000x128xf32, #tpu.memory_space<hbm>> -> memref<100000x128xf32, #tpu.memory_space<hbm>>
    tpu.enqueue_indirect_dma source(%dma_start3A_57 : memref<100000x128xf32, #tpu.memory_space<hbm>>) target(%dma_start3A_52 : memref<64x128xf32, #tpu.memory_space<vmem>>) offsets(%dma_start3A_54 : memref<64xi32, #tpu.memory_space<vmem>>) semaphore(%arg14 : memref<!tpu.dma_semaphore, #tpu.memory_space<semaphore_mem>>)
    %dma_start3A_58 = arith.constant 448 : i32
    %dma_start3A_59 = arith.constant 0 : i32
    %dma_start3A_60 = tpu.memref_slice %arg6[%dma_start3A_58, %dma_start3A_59] : memref<512x128xf32, #tpu.memory_space<vmem>> -> memref<64x128xf32, #tpu.memory_space<vmem>>
    %dma_start3A_61 = arith.constant 448 : i32
    %dma_start3A_62 = tpu.memref_slice %arg5[%dma_start3A_61] : memref<512xi32, #tpu.memory_space<vmem>> -> memref<64xi32, #tpu.memory_space<vmem>>
    %dma_start3A_63 = arith.constant 0 : i32
    %dma_start3A_64 = arith.constant 0 : i32
    %dma_start3A_65 = tpu.memref_slice %arg3[%dma_start3A_63, %dma_start3A_64] : memref<100000x128xf32, #tpu.memory_space<hbm>> -> memref<100000x128xf32, #tpu.memory_space<hbm>>
    tpu.enqueue_indirect_dma source(%dma_start3A_65 : memref<100000x128xf32, #tpu.memory_space<hbm>>) target(%dma_start3A_60 : memref<64x128xf32, #tpu.memory_space<vmem>>) offsets(%dma_start3A_62 : memref<64xi32, #tpu.memory_space<vmem>>) semaphore(%arg15 : memref<!tpu.dma_semaphore, #tpu.memory_space<semaphore_mem>>)
    %broadcast_in_dim3A = arith.constant 0.000000e+00 : f32
    %broadcast_in_dim3A_66 = vector.broadcast %broadcast_in_dim3A : f32 to vector<16xf32>
    %broadcast_in_dim3A_67 = arith.constant 0.000000e+00 : f32
    %broadcast_in_dim3A_68 = vector.broadcast %broadcast_in_dim3A_67 : f32 to vector<16xf32>
    %broadcast_in_dim3A_69 = arith.constant 0.000000e+00 : f32
    %broadcast_in_dim3A_70 = vector.broadcast %broadcast_in_dim3A_69 : f32 to vector<16xf32>
    %broadcast_in_dim3A_71 = arith.constant 0.000000e+00 : f32
    %broadcast_in_dim3A_72 = vector.broadcast %broadcast_in_dim3A_71 : f32 to vector<16xf32>
    %broadcast_in_dim3A_73 = arith.constant 0.000000e+00 : f32
    %broadcast_in_dim3A_74 = vector.broadcast %broadcast_in_dim3A_73 : f32 to vector<16xf32>
    %broadcast_in_dim3A_75 = arith.constant 0.000000e+00 : f32
    %broadcast_in_dim3A_76 = vector.broadcast %broadcast_in_dim3A_75 : f32 to vector<16xf32>
    %broadcast_in_dim3A_77 = arith.constant 0.000000e+00 : f32
    %broadcast_in_dim3A_78 = vector.broadcast %broadcast_in_dim3A_77 : f32 to vector<16xf32>
    %broadcast_in_dim3A_79 = arith.constant 0.000000e+00 : f32
    %broadcast_in_dim3A_80 = vector.broadcast %broadcast_in_dim3A_79 : f32 to vector<16xf32>
    %dma_wait3A = arith.constant 0 : i32
    %dma_wait3A_81 = arith.constant 0 : i32
    %dma_wait3A_82 = tpu.memref_slice %arg6[%dma_wait3A, %dma_wait3A_81] : memref<512x128xf32, #tpu.memory_space<vmem>> -> memref<64x128xf32, #tpu.memory_space<vmem>>
    %dma_wait3A_83 = arith.constant 0 : i32
    %dma_wait3A_84 = tpu.memref_slice %arg5[%dma_wait3A_83] : memref<512xi32, #tpu.memory_space<vmem>> -> memref<64xi32, #tpu.memory_space<vmem>>
    %dma_wait3A_85 = arith.constant 0 : i32
    %dma_wait3A_86 = arith.constant 0 : i32
    %dma_wait3A_87 = tpu.memref_slice %arg3[%dma_wait3A_85, %dma_wait3A_86] : memref<100000x128xf32, #tpu.memory_space<hbm>> -> memref<100000x128xf32, #tpu.memory_space<hbm>>
    tpu.wait_indirect_dma semaphore(%arg8 : memref<!tpu.dma_semaphore, #tpu.memory_space<semaphore_mem>>) src(%dma_wait3A_87 : memref<100000x128xf32, #tpu.memory_space<hbm>>) dst(%dma_wait3A_82 : memref<64x128xf32, #tpu.memory_space<vmem>>)
    %parallel_loop3A = arith.constant 0 : i32
    %parallel_loop3A_88 = arith.constant 64 : i32
    %parallel_loop3A_89 = arith.constant 1 : i32
    %parallel_loop3A_90:8 = scf.for %parallel_loop3A_206 = %parallel_loop3A to %parallel_loop3A_88 step %parallel_loop3A_89 iter_args(%parallel_loop3A_207 = %broadcast_in_dim3A_66, %parallel_loop3A_208 = %broadcast_in_dim3A_68, %parallel_loop3A_209 = %broadcast_in_dim3A_70, %parallel_loop3A_210 = %broadcast_in_dim3A_72, %parallel_loop3A_211 = %broadcast_in_dim3A_74, %parallel_loop3A_212 = %broadcast_in_dim3A_76, %parallel_loop3A_213 = %broadcast_in_dim3A_78, %parallel_loop3A_214 = %broadcast_in_dim3A_80) -> (vector<16xf32>, vector<16xf32>, vector<16xf32>, vector<16xf32>, vector<16xf32>, vector<16xf32>, vector<16xf32>, vector<16xf32>)  : i32 {
      %parallel_loop3A_215 = arith.index_cast %parallel_loop3A_206 : i32 to index
      %parallel_loop3A_216 = arith.constant 0 : index
      %parallel_loop3A_217 = tpu.vector_load %arg6[%parallel_loop3A_215, %parallel_loop3A_216] {strides = array<i32>} : memref<512x128xf32, #tpu.memory_space<vmem>>, vector<1x16xf32>,
      %parallel_loop3A_218 = vector.shape_cast %parallel_loop3A_217 : vector<1x16xf32> to vector<16xf32>
      %parallel_loop3A_219 = arith.addf %parallel_loop3A_207, %parallel_loop3A_218 : vector<16xf32>
      %parallel_loop3A_220 = arith.index_cast %parallel_loop3A_206 : i32 to index
      %parallel_loop3A_221 = arith.constant 16 : index
      %parallel_loop3A_222 = tpu.vector_load %arg6[%parallel_loop3A_220, %parallel_loop3A_221] {strides = array<i32>} : memref<512x128xf32, #tpu.memory_space<vmem>>, vector<1x16xf32>,
      %parallel_loop3A_223 = vector.shape_cast %parallel_loop3A_222 : vector<1x16xf32> to vector<16xf32>
      %parallel_loop3A_224 = arith.addf %parallel_loop3A_208, %parallel_loop3A_223 : vector<16xf32>
      %parallel_loop3A_225 = arith.index_cast %parallel_loop3A_206 : i32 to index
      %parallel_loop3A_226 = arith.constant 32 : index
      %parallel_loop3A_227 = tpu.vector_load %arg6[%parallel_loop3A_225, %parallel_loop3A_226] {strides = array<i32>} : memref<512x128xf32, #tpu.memory_space<vmem>>, vector<1x16xf32>,
      %parallel_loop3A_228 = vector.shape_cast %parallel_loop3A_227 : vector<1x16xf32> to vector<16xf32>
      %parallel_loop3A_229 = arith.addf %parallel_loop3A_209, %parallel_loop3A_228 : vector<16xf32>
      %parallel_loop3A_230 = arith.index_cast %parallel_loop3A_206 : i32 to index
      %parallel_loop3A_231 = arith.constant 48 : index
      %parallel_loop3A_232 = tpu.vector_load %arg6[%parallel_loop3A_230, %parallel_loop3A_231] {strides = array<i32>} : memref<512x128xf32, #tpu.memory_space<vmem>>, vector<1x16xf32>,
      %parallel_loop3A_233 = vector.shape_cast %parallel_loop3A_232 : vector<1x16xf32> to vector<16xf32>
      %parallel_loop3A_234 = arith.addf %parallel_loop3A_210, %parallel_loop3A_233 : vector<16xf32>
      %parallel_loop3A_235 = arith.index_cast %parallel_loop3A_206 : i32 to index
      %parallel_loop3A_236 = arith.constant 64 : index
      %parallel_loop3A_237 = tpu.vector_load %arg6[%parallel_loop3A_235, %parallel_loop3A_236] {strides = array<i32>} : memref<512x128xf32, #tpu.memory_space<vmem>>, vector<1x16xf32>,
      %parallel_loop3A_238 = vector.shape_cast %parallel_loop3A_237 : vector<1x16xf32> to vector<16xf32>
      %parallel_loop3A_239 = arith.addf %parallel_loop3A_211, %parallel_loop3A_238 : vector<16xf32>
      %parallel_loop3A_240 = arith.index_cast %parallel_loop3A_206 : i32 to index
      %parallel_loop3A_241 = arith.constant 80 : index
      %parallel_loop3A_242 = tpu.vector_load %arg6[%parallel_loop3A_240, %parallel_loop3A_241] {strides = array<i32>} : memref<512x128xf32, #tpu.memory_space<vmem>>, vector<1x16xf32>,
      %parallel_loop3A_243 = vector.shape_cast %parallel_loop3A_242 : vector<1x16xf32> to vector<16xf32>
      %parallel_loop3A_244 = arith.addf %parallel_loop3A_212, %parallel_loop3A_243 : vector<16xf32>
      %parallel_loop3A_245 = arith.index_cast %parallel_loop3A_206 : i32 to index
      %parallel_loop3A_246 = arith.constant 96 : index
      %parallel_loop3A_247 = tpu.vector_load %arg6[%parallel_loop3A_245, %parallel_loop3A_246] {strides = array<i32>} : memref<512x128xf32, #tpu.memory_space<vmem>>, vector<1x16xf32>,
      %parallel_loop3A_248 = vector.shape_cast %parallel_loop3A_247 : vector<1x16xf32> to vector<16xf32>
      %parallel_loop3A_249 = arith.addf %parallel_loop3A_213, %parallel_loop3A_248 : vector<16xf32>
      %parallel_loop3A_250 = arith.index_cast %parallel_loop3A_206 : i32 to index
      %parallel_loop3A_251 = arith.constant 112 : index
      %parallel_loop3A_252 = tpu.vector_load %arg6[%parallel_loop3A_250, %parallel_loop3A_251] {strides = array<i32>} : memref<512x128xf32, #tpu.memory_space<vmem>>, vector<1x16xf32>,
      %parallel_loop3A_253 = vector.shape_cast %parallel_loop3A_252 : vector<1x16xf32> to vector<16xf32>
      %parallel_loop3A_254 = arith.addf %parallel_loop3A_214, %parallel_loop3A_253 : vector<16xf32>
      scf.yield %parallel_loop3A_219, %parallel_loop3A_224, %parallel_loop3A_229, %parallel_loop3A_234, %parallel_loop3A_239, %parallel_loop3A_244, %parallel_loop3A_249, %parallel_loop3A_254 : vector<16xf32>, vector<16xf32>, vector<16xf32>, vector<16xf32>, vector<16xf32>, vector<16xf32>, vector<16xf32>, vector<16xf32>
    } {sc.loop_unroll_factor = 1 : i64, sc.parallel_access}
    %dma_wait3A_91 = arith.constant 64 : i32
    %dma_wait3A_92 = arith.constant 0 : i32
    %dma_wait3A_93 = tpu.memref_slice %arg6[%dma_wait3A_91, %dma_wait3A_92] : memref<512x128xf32, #tpu.memory_space<vmem>> -> memref<64x128xf32, #tpu.memory_space<vmem>>
    %dma_wait3A_94 = arith.constant 64 : i32
    %dma_wait3A_95 = tpu.memref_slice %arg5[%dma_wait3A_94] : memref<512xi32, #tpu.memory_space<vmem>> -> memref<64xi32, #tpu.memory_space<vmem>>
    %dma_wait3A_96 = arith.constant 0 : i32
    %dma_wait3A_97 = arith.constant 0 : i32
    %dma_wait3A_98 = tpu.memref_slice %arg3[%dma_wait3A_96, %dma_wait3A_97] : memref<100000x128xf32, #tpu.memory_space<hbm>> -> memref<100000x128xf32, #tpu.memory_space<hbm>>
    tpu.wait_indirect_dma semaphore(%arg9 : memref<!tpu.dma_semaphore, #tpu.memory_space<semaphore_mem>>) src(%dma_wait3A_98 : memref<100000x128xf32, #tpu.memory_space<hbm>>) dst(%dma_wait3A_93 : memref<64x128xf32, #tpu.memory_space<vmem>>)
    %parallel_loop3A_99 = arith.constant 64 : i32
    %parallel_loop3A_100 = arith.constant 128 : i32
    %parallel_loop3A_101 = arith.constant 1 : i32
    %parallel_loop3A_102:8 = scf.for %parallel_loop3A_206 = %parallel_loop3A_99 to %parallel_loop3A_100 step %parallel_loop3A_101 iter_args(%parallel_loop3A_207 = %parallel_loop3A_90#0, %parallel_loop3A_208 = %parallel_loop3A_90#1, %parallel_loop3A_209 = %parallel_loop3A_90#2, %parallel_loop3A_210 = %parallel_loop3A_90#3, %parallel_loop3A_211 = %parallel_loop3A_90#4, %parallel_loop3A_212 = %parallel_loop3A_90#5, %parallel_loop3A_213 = %parallel_loop3A_90#6, %parallel_loop3A_214 = %parallel_loop3A_90#7) -> (vector<16xf32>, vector<16xf32>, vector<16xf32>, vector<16xf32>, vector<16xf32>, vector<16xf32>, vector<16xf32>, vector<16xf32>)  : i32 {
      %parallel_loop3A_215 = arith.index_cast %parallel_loop3A_206 : i32 to index
      %parallel_loop3A_216 = arith.constant 0 : index
      %parallel_loop3A_217 = tpu.vector_load %arg6[%parallel_loop3A_215, %parallel_loop3A_216] {strides = array<i32>} : memref<512x128xf32, #tpu.memory_space<vmem>>, vector<1x16xf32>,
      %parallel_loop3A_218 = vector.shape_cast %parallel_loop3A_217 : vector<1x16xf32> to vector<16xf32>
      %parallel_loop3A_219 = arith.addf %parallel_loop3A_207, %parallel_loop3A_218 : vector<16xf32>
      %parallel_loop3A_220 = arith.index_cast %parallel_loop3A_206 : i32 to index
      %parallel_loop3A_221 = arith.constant 16 : index
      %parallel_loop3A_222 = tpu.vector_load %arg6[%parallel_loop3A_220, %parallel_loop3A_221] {strides = array<i32>} : memref<512x128xf32, #tpu.memory_space<vmem>>, vector<1x16xf32>,
      %parallel_loop3A_223 = vector.shape_cast %parallel_loop3A_222 : vector<1x16xf32> to vector<16xf32>
      %parallel_loop3A_224 = arith.addf %parallel_loop3A_208, %parallel_loop3A_223 : vector<16xf32>
      %parallel_loop3A_225 = arith.index_cast %parallel_loop3A_206 : i32 to index
      %parallel_loop3A_226 = arith.constant 32 : index
      %parallel_loop3A_227 = tpu.vector_load %arg6[%parallel_loop3A_225, %parallel_loop3A_226] {strides = array<i32>} : memref<512x128xf32, #tpu.memory_space<vmem>>, vector<1x16xf32>,
      %parallel_loop3A_228 = vector.shape_cast %parallel_loop3A_227 : vector<1x16xf32> to vector<16xf32>
      %parallel_loop3A_229 = arith.addf %parallel_loop3A_209, %parallel_loop3A_228 : vector<16xf32>
      %parallel_loop3A_230 = arith.index_cast %parallel_loop3A_206 : i32 to index
      %parallel_loop3A_231 = arith.constant 48 : index
      %parallel_loop3A_232 = tpu.vector_load %arg6[%parallel_loop3A_230, %parallel_loop3A_231] {strides = array<i32>} : memref<512x128xf32, #tpu.memory_space<vmem>>, vector<1x16xf32>,
      %parallel_loop3A_233 = vector.shape_cast %parallel_loop3A_232 : vector<1x16xf32> to vector<16xf32>
      %parallel_loop3A_234 = arith.addf %parallel_loop3A_210, %parallel_loop3A_233 : vector<16xf32>
      %parallel_loop3A_235 = arith.index_cast %parallel_loop3A_206 : i32 to index
      %parallel_loop3A_236 = arith.constant 64 : index
      %parallel_loop3A_237 = tpu.vector_load %arg6[%parallel_loop3A_235, %parallel_loop3A_236] {strides = array<i32>} : memref<512x128xf32, #tpu.memory_space<vmem>>, vector<1x16xf32>,
      %parallel_loop3A_238 = vector.shape_cast %parallel_loop3A_237 : vector<1x16xf32> to vector<16xf32>
      %parallel_loop3A_239 = arith.addf %parallel_loop3A_211, %parallel_loop3A_238 : vector<16xf32>
      %parallel_loop3A_240 = arith.index_cast %parallel_loop3A_206 : i32 to index
      %parallel_loop3A_241 = arith.constant 80 : index
      %parallel_loop3A_242 = tpu.vector_load %arg6[%parallel_loop3A_240, %parallel_loop3A_241] {strides = array<i32>} : memref<512x128xf32, #tpu.memory_space<vmem>>, vector<1x16xf32>,
      %parallel_loop3A_243 = vector.shape_cast %parallel_loop3A_242 : vector<1x16xf32> to vector<16xf32>
      %parallel_loop3A_244 = arith.addf %parallel_loop3A_212, %parallel_loop3A_243 : vector<16xf32>
      %parallel_loop3A_245 = arith.index_cast %parallel_loop3A_206 : i32 to index
      %parallel_loop3A_246 = arith.constant 96 : index
      %parallel_loop3A_247 = tpu.vector_load %arg6[%parallel_loop3A_245, %parallel_loop3A_246] {strides = array<i32>} : memref<512x128xf32, #tpu.memory_space<vmem>>, vector<1x16xf32>,
      %parallel_loop3A_248 = vector.shape_cast %parallel_loop3A_247 : vector<1x16xf32> to vector<16xf32>
      %parallel_loop3A_249 = arith.addf %parallel_loop3A_213, %parallel_loop3A_248 : vector<16xf32>
      %parallel_loop3A_250 = arith.index_cast %parallel_loop3A_206 : i32 to index
      %parallel_loop3A_251 = arith.constant 112 : index
      %parallel_loop3A_252 = tpu.vector_load %arg6[%parallel_loop3A_250, %parallel_loop3A_251] {strides = array<i32>} : memref<512x128xf32, #tpu.memory_space<vmem>>, vector<1x16xf32>,
      %parallel_loop3A_253 = vector.shape_cast %parallel_loop3A_252 : vector<1x16xf32> to vector<16xf32>
      %parallel_loop3A_254 = arith.addf %parallel_loop3A_214, %parallel_loop3A_253 : vector<16xf32>
      scf.yield %parallel_loop3A_219, %parallel_loop3A_224, %parallel_loop3A_229, %parallel_loop3A_234, %parallel_loop3A_239, %parallel_loop3A_244, %parallel_loop3A_249, %parallel_loop3A_254 : vector<16xf32>, vector<16xf32>, vector<16xf32>, vector<16xf32>, vector<16xf32>, vector<16xf32>, vector<16xf32>, vector<16xf32>
    } {sc.loop_unroll_factor = 1 : i64, sc.parallel_access}
    %dma_wait3A_103 = arith.constant 128 : i32
    %dma_wait3A_104 = arith.constant 0 : i32
    %dma_wait3A_105 = tpu.memref_slice %arg6[%dma_wait3A_103, %dma_wait3A_104] : memref<512x128xf32, #tpu.memory_space<vmem>> -> memref<64x128xf32, #tpu.memory_space<vmem>>
    %dma_wait3A_106 = arith.constant 128 : i32
    %dma_wait3A_107 = tpu.memref_slice %arg5[%dma_wait3A_106] : memref<512xi32, #tpu.memory_space<vmem>> -> memref<64xi32, #tpu.memory_space<vmem>>
    %dma_wait3A_108 = arith.constant 0 : i32
    %dma_wait3A_109 = arith.constant 0 : i32
    %dma_wait3A_110 = tpu.memref_slice %arg3[%dma_wait3A_108, %dma_wait3A_109] : memref<100000x128xf32, #tpu.memory_space<hbm>> -> memref<100000x128xf32, #tpu.memory_space<hbm>>
    tpu.wait_indirect_dma semaphore(%arg10 : memref<!tpu.dma_semaphore, #tpu.memory_space<semaphore_mem>>) src(%dma_wait3A_110 : memref<100000x128xf32, #tpu.memory_space<hbm>>) dst(%dma_wait3A_105 : memref<64x128xf32, #tpu.memory_space<vmem>>)
    %parallel_loop3A_111 = arith.constant 128 : i32
    %parallel_loop3A_112 = arith.constant 192 : i32
    %parallel_loop3A_113 = arith.constant 1 : i32
    %parallel_loop3A_114:8 = scf.for %parallel_loop3A_206 = %parallel_loop3A_111 to %parallel_loop3A_112 step %parallel_loop3A_113 iter_args(%parallel_loop3A_207 = %parallel_loop3A_102#0, %parallel_loop3A_208 = %parallel_loop3A_102#1, %parallel_loop3A_209 = %parallel_loop3A_102#2, %parallel_loop3A_210 = %parallel_loop3A_102#3, %parallel_loop3A_211 = %parallel_loop3A_102#4, %parallel_loop3A_212 = %parallel_loop3A_102#5, %parallel_loop3A_213 = %parallel_loop3A_102#6, %parallel_loop3A_214 = %parallel_loop3A_102#7) -> (vector<16xf32>, vector<16xf32>, vector<16xf32>, vector<16xf32>, vector<16xf32>, vector<16xf32>, vector<16xf32>, vector<16xf32>)  : i32 {
      %parallel_loop3A_215 = arith.index_cast %parallel_loop3A_206 : i32 to index
      %parallel_loop3A_216 = arith.constant 0 : index
      %parallel_loop3A_217 = tpu.vector_load %arg6[%parallel_loop3A_215, %parallel_loop3A_216] {strides = array<i32>} : memref<512x128xf32, #tpu.memory_space<vmem>>, vector<1x16xf32>,
      %parallel_loop3A_218 = vector.shape_cast %parallel_loop3A_217 : vector<1x16xf32> to vector<16xf32>
      %parallel_loop3A_219 = arith.addf %parallel_loop3A_207, %parallel_loop3A_218 : vector<16xf32>
      %parallel_loop3A_220 = arith.index_cast %parallel_loop3A_206 : i32 to index
      %parallel_loop3A_221 = arith.constant 16 : index
      %parallel_loop3A_222 = tpu.vector_load %arg6[%parallel_loop3A_220, %parallel_loop3A_221] {strides = array<i32>} : memref<512x128xf32, #tpu.memory_space<vmem>>, vector<1x16xf32>,
      %parallel_loop3A_223 = vector.shape_cast %parallel_loop3A_222 : vector<1x16xf32> to vector<16xf32>
      %parallel_loop3A_224 = arith.addf %parallel_loop3A_208, %parallel_loop3A_223 : vector<16xf32>
      %parallel_loop3A_225 = arith.index_cast %parallel_loop3A_206 : i32 to index
      %parallel_loop3A_226 = arith.constant 32 : index
      %parallel_loop3A_227 = tpu.vector_load %arg6[%parallel_loop3A_225, %parallel_loop3A_226] {strides = array<i32>} : memref<512x128xf32, #tpu.memory_space<vmem>>, vector<1x16xf32>,
      %parallel_loop3A_228 = vector.shape_cast %parallel_loop3A_227 : vector<1x16xf32> to vector<16xf32>
      %parallel_loop3A_229 = arith.addf %parallel_loop3A_209, %parallel_loop3A_228 : vector<16xf32>
      %parallel_loop3A_230 = arith.index_cast %parallel_loop3A_206 : i32 to index
      %parallel_loop3A_231 = arith.constant 48 : index
      %parallel_loop3A_232 = tpu.vector_load %arg6[%parallel_loop3A_230, %parallel_loop3A_231] {strides = array<i32>} : memref<512x128xf32, #tpu.memory_space<vmem>>, vector<1x16xf32>,
      %parallel_loop3A_233 = vector.shape_cast %parallel_loop3A_232 : vector<1x16xf32> to vector<16xf32>
      %parallel_loop3A_234 = arith.addf %parallel_loop3A_210, %parallel_loop3A_233 : vector<16xf32>
      %parallel_loop3A_235 = arith.index_cast %parallel_loop3A_206 : i32 to index
      %parallel_loop3A_236 = arith.constant 64 : index
      %parallel_loop3A_237 = tpu.vector_load %arg6[%parallel_loop3A_235, %parallel_loop3A_236] {strides = array<i32>} : memref<512x128xf32, #tpu.memory_space<vmem>>, vector<1x16xf32>,
      %parallel_loop3A_238 = vector.shape_cast %parallel_loop3A_237 : vector<1x16xf32> to vector<16xf32>
      %parallel_loop3A_239 = arith.addf %parallel_loop3A_211, %parallel_loop3A_238 : vector<16xf32>
      %parallel_loop3A_240 = arith.index_cast %parallel_loop3A_206 : i32 to index
      %parallel_loop3A_241 = arith.constant 80 : index
      %parallel_loop3A_242 = tpu.vector_load %arg6[%parallel_loop3A_240, %parallel_loop3A_241] {strides = array<i32>} : memref<512x128xf32, #tpu.memory_space<vmem>>, vector<1x16xf32>,
      %parallel_loop3A_243 = vector.shape_cast %parallel_loop3A_242 : vector<1x16xf32> to vector<16xf32>
      %parallel_loop3A_244 = arith.addf %parallel_loop3A_212, %parallel_loop3A_243 : vector<16xf32>
      %parallel_loop3A_245 = arith.index_cast %parallel_loop3A_206 : i32 to index
      %parallel_loop3A_246 = arith.constant 96 : index
      %parallel_loop3A_247 = tpu.vector_load %arg6[%parallel_loop3A_245, %parallel_loop3A_246] {strides = array<i32>} : memref<512x128xf32, #tpu.memory_space<vmem>>, vector<1x16xf32>,
      %parallel_loop3A_248 = vector.shape_cast %parallel_loop3A_247 : vector<1x16xf32> to vector<16xf32>
      %parallel_loop3A_249 = arith.addf %parallel_loop3A_213, %parallel_loop3A_248 : vector<16xf32>
      %parallel_loop3A_250 = arith.index_cast %parallel_loop3A_206 : i32 to index
      %parallel_loop3A_251 = arith.constant 112 : index
      %parallel_loop3A_252 = tpu.vector_load %arg6[%parallel_loop3A_250, %parallel_loop3A_251] {strides = array<i32>} : memref<512x128xf32, #tpu.memory_space<vmem>>, vector<1x16xf32>,
      %parallel_loop3A_253 = vector.shape_cast %parallel_loop3A_252 : vector<1x16xf32> to vector<16xf32>
      %parallel_loop3A_254 = arith.addf %parallel_loop3A_214, %parallel_loop3A_253 : vector<16xf32>
      scf.yield %parallel_loop3A_219, %parallel_loop3A_224, %parallel_loop3A_229, %parallel_loop3A_234, %parallel_loop3A_239, %parallel_loop3A_244, %parallel_loop3A_249, %parallel_loop3A_254 : vector<16xf32>, vector<16xf32>, vector<16xf32>, vector<16xf32>, vector<16xf32>, vector<16xf32>, vector<16xf32>, vector<16xf32>
    } {sc.loop_unroll_factor = 1 : i64, sc.parallel_access}
    %dma_wait3A_115 = arith.constant 192 : i32
    %dma_wait3A_116 = arith.constant 0 : i32
    %dma_wait3A_117 = tpu.memref_slice %arg6[%dma_wait3A_115, %dma_wait3A_116] : memref<512x128xf32, #tpu.memory_space<vmem>> -> memref<64x128xf32, #tpu.memory_space<vmem>>
    %dma_wait3A_118 = arith.constant 192 : i32
    %dma_wait3A_119 = tpu.memref_slice %arg5[%dma_wait3A_118] : memref<512xi32, #tpu.memory_space<vmem>> -> memref<64xi32, #tpu.memory_space<vmem>>
    %dma_wait3A_120 = arith.constant 0 : i32
    %dma_wait3A_121 = arith.constant 0 : i32
    %dma_wait3A_122 = tpu.memref_slice %arg3[%dma_wait3A_120, %dma_wait3A_121] : memref<100000x128xf32, #tpu.memory_space<hbm>> -> memref<100000x128xf32, #tpu.memory_space<hbm>>
    tpu.wait_indirect_dma semaphore(%arg11 : memref<!tpu.dma_semaphore, #tpu.memory_space<semaphore_mem>>) src(%dma_wait3A_122 : memref<100000x128xf32, #tpu.memory_space<hbm>>) dst(%dma_wait3A_117 : memref<64x128xf32, #tpu.memory_space<vmem>>)
    %parallel_loop3A_123 = arith.constant 192 : i32
    %parallel_loop3A_124 = arith.constant 256 : i32
    %parallel_loop3A_125 = arith.constant 1 : i32
    %parallel_loop3A_126:8 = scf.for %parallel_loop3A_206 = %parallel_loop3A_123 to %parallel_loop3A_124 step %parallel_loop3A_125 iter_args(%parallel_loop3A_207 = %parallel_loop3A_114#0, %parallel_loop3A_208 = %parallel_loop3A_114#1, %parallel_loop3A_209 = %parallel_loop3A_114#2, %parallel_loop3A_210 = %parallel_loop3A_114#3, %parallel_loop3A_211 = %parallel_loop3A_114#4, %parallel_loop3A_212 = %parallel_loop3A_114#5, %parallel_loop3A_213 = %parallel_loop3A_114#6, %parallel_loop3A_214 = %parallel_loop3A_114#7) -> (vector<16xf32>, vector<16xf32>, vector<16xf32>, vector<16xf32>, vector<16xf32>, vector<16xf32>, vector<16xf32>, vector<16xf32>)  : i32 {
      %parallel_loop3A_215 = arith.index_cast %parallel_loop3A_206 : i32 to index
      %parallel_loop3A_216 = arith.constant 0 : index
      %parallel_loop3A_217 = tpu.vector_load %arg6[%parallel_loop3A_215, %parallel_loop3A_216] {strides = array<i32>} : memref<512x128xf32, #tpu.memory_space<vmem>>, vector<1x16xf32>,
      %parallel_loop3A_218 = vector.shape_cast %parallel_loop3A_217 : vector<1x16xf32> to vector<16xf32>
      %parallel_loop3A_219 = arith.addf %parallel_loop3A_207, %parallel_loop3A_218 : vector<16xf32>
      %parallel_loop3A_220 = arith.index_cast %parallel_loop3A_206 : i32 to index
      %parallel_loop3A_221 = arith.constant 16 : index
      %parallel_loop3A_222 = tpu.vector_load %arg6[%parallel_loop3A_220, %parallel_loop3A_221] {strides = array<i32>} : memref<512x128xf32, #tpu.memory_space<vmem>>, vector<1x16xf32>,
      %parallel_loop3A_223 = vector.shape_cast %parallel_loop3A_222 : vector<1x16xf32> to vector<16xf32>
      %parallel_loop3A_224 = arith.addf %parallel_loop3A_208, %parallel_loop3A_223 : vector<16xf32>
      %parallel_loop3A_225 = arith.index_cast %parallel_loop3A_206 : i32 to index
      %parallel_loop3A_226 = arith.constant 32 : index
      %parallel_loop3A_227 = tpu.vector_load %arg6[%parallel_loop3A_225, %parallel_loop3A_226] {strides = array<i32>} : memref<512x128xf32, #tpu.memory_space<vmem>>, vector<1x16xf32>,
      %parallel_loop3A_228 = vector.shape_cast %parallel_loop3A_227 : vector<1x16xf32> to vector<16xf32>
      %parallel_loop3A_229 = arith.addf %parallel_loop3A_209, %parallel_loop3A_228 : vector<16xf32>
      %parallel_loop3A_230 = arith.index_cast %parallel_loop3A_206 : i32 to index
      %parallel_loop3A_231 = arith.constant 48 : index
      %parallel_loop3A_232 = tpu.vector_load %arg6[%parallel_loop3A_230, %parallel_loop3A_231] {strides = array<i32>} : memref<512x128xf32, #tpu.memory_space<vmem>>, vector<1x16xf32>,
      %parallel_loop3A_233 = vector.shape_cast %parallel_loop3A_232 : vector<1x16xf32> to vector<16xf32>
      %parallel_loop3A_234 = arith.addf %parallel_loop3A_210, %parallel_loop3A_233 : vector<16xf32>
      %parallel_loop3A_235 = arith.index_cast %parallel_loop3A_206 : i32 to index
      %parallel_loop3A_236 = arith.constant 64 : index
      %parallel_loop3A_237 = tpu.vector_load %arg6[%parallel_loop3A_235, %parallel_loop3A_236] {strides = array<i32>} : memref<512x128xf32, #tpu.memory_space<vmem>>, vector<1x16xf32>,
      %parallel_loop3A_238 = vector.shape_cast %parallel_loop3A_237 : vector<1x16xf32> to vector<16xf32>
      %parallel_loop3A_239 = arith.addf %parallel_loop3A_211, %parallel_loop3A_238 : vector<16xf32>
      %parallel_loop3A_240 = arith.index_cast %parallel_loop3A_206 : i32 to index
      %parallel_loop3A_241 = arith.constant 80 : index
      %parallel_loop3A_242 = tpu.vector_load %arg6[%parallel_loop3A_240, %parallel_loop3A_241] {strides = array<i32>} : memref<512x128xf32, #tpu.memory_space<vmem>>, vector<1x16xf32>,
      %parallel_loop3A_243 = vector.shape_cast %parallel_loop3A_242 : vector<1x16xf32> to vector<16xf32>
      %parallel_loop3A_244 = arith.addf %parallel_loop3A_212, %parallel_loop3A_243 : vector<16xf32>
      %parallel_loop3A_245 = arith.index_cast %parallel_loop3A_206 : i32 to index
      %parallel_loop3A_246 = arith.constant 96 : index
      %parallel_loop3A_247 = tpu.vector_load %arg6[%parallel_loop3A_245, %parallel_loop3A_246] {strides = array<i32>} : memref<512x128xf32, #tpu.memory_space<vmem>>, vector<1x16xf32>,
      %parallel_loop3A_248 = vector.shape_cast %parallel_loop3A_247 : vector<1x16xf32> to vector<16xf32>
      %parallel_loop3A_249 = arith.addf %parallel_loop3A_213, %parallel_loop3A_248 : vector<16xf32>
      %parallel_loop3A_250 = arith.index_cast %parallel_loop3A_206 : i32 to index
      %parallel_loop3A_251 = arith.constant 112 : index
      %parallel_loop3A_252 = tpu.vector_load %arg6[%parallel_loop3A_250, %parallel_loop3A_251] {strides = array<i32>} : memref<512x128xf32, #tpu.memory_space<vmem>>, vector<1x16xf32>,
      %parallel_loop3A_253 = vector.shape_cast %parallel_loop3A_252 : vector<1x16xf32> to vector<16xf32>
      %parallel_loop3A_254 = arith.addf %parallel_loop3A_214, %parallel_loop3A_253 : vector<16xf32>
      scf.yield %parallel_loop3A_219, %parallel_loop3A_224, %parallel_loop3A_229, %parallel_loop3A_234, %parallel_loop3A_239, %parallel_loop3A_244, %parallel_loop3A_249, %parallel_loop3A_254 : vector<16xf32>, vector<16xf32>, vector<16xf32>, vector<16xf32>, vector<16xf32>, vector<16xf32>, vector<16xf32>, vector<16xf32>
    } {sc.loop_unroll_factor = 1 : i64, sc.parallel_access}
    %dma_wait3A_127 = arith.constant 256 : i32
    %dma_wait3A_128 = arith.constant 0 : i32
    %dma_wait3A_129 = tpu.memref_slice %arg6[%dma_wait3A_127, %dma_wait3A_128] : memref<512x128xf32, #tpu.memory_space<vmem>> -> memref<64x128xf32, #tpu.memory_space<vmem>>
    %dma_wait3A_130 = arith.constant 256 : i32
    %dma_wait3A_131 = tpu.memref_slice %arg5[%dma_wait3A_130] : memref<512xi32, #tpu.memory_space<vmem>> -> memref<64xi32, #tpu.memory_space<vmem>>
    %dma_wait3A_132 = arith.constant 0 : i32
    %dma_wait3A_133 = arith.constant 0 : i32
    %dma_wait3A_134 = tpu.memref_slice %arg3[%dma_wait3A_132, %dma_wait3A_133] : memref<100000x128xf32, #tpu.memory_space<hbm>> -> memref<100000x128xf32, #tpu.memory_space<hbm>>
    tpu.wait_indirect_dma semaphore(%arg12 : memref<!tpu.dma_semaphore, #tpu.memory_space<semaphore_mem>>) src(%dma_wait3A_134 : memref<100000x128xf32, #tpu.memory_space<hbm>>) dst(%dma_wait3A_129 : memref<64x128xf32, #tpu.memory_space<vmem>>)
    %parallel_loop3A_135 = arith.constant 256 : i32
    %parallel_loop3A_136 = arith.constant 320 : i32
    %parallel_loop3A_137 = arith.constant 1 : i32
    %parallel_loop3A_138:8 = scf.for %parallel_loop3A_206 = %parallel_loop3A_135 to %parallel_loop3A_136 step %parallel_loop3A_137 iter_args(%parallel_loop3A_207 = %parallel_loop3A_126#0, %parallel_loop3A_208 = %parallel_loop3A_126#1, %parallel_loop3A_209 = %parallel_loop3A_126#2, %parallel_loop3A_210 = %parallel_loop3A_126#3, %parallel_loop3A_211 = %parallel_loop3A_126#4, %parallel_loop3A_212 = %parallel_loop3A_126#5, %parallel_loop3A_213 = %parallel_loop3A_126#6, %parallel_loop3A_214 = %parallel_loop3A_126#7) -> (vector<16xf32>, vector<16xf32>, vector<16xf32>, vector<16xf32>, vector<16xf32>, vector<16xf32>, vector<16xf32>, vector<16xf32>)  : i32 {
      %parallel_loop3A_215 = arith.index_cast %parallel_loop3A_206 : i32 to index
      %parallel_loop3A_216 = arith.constant 0 : index
      %parallel_loop3A_217 = tpu.vector_load %arg6[%parallel_loop3A_215, %parallel_loop3A_216] {strides = array<i32>} : memref<512x128xf32, #tpu.memory_space<vmem>>, vector<1x16xf32>,
      %parallel_loop3A_218 = vector.shape_cast %parallel_loop3A_217 : vector<1x16xf32> to vector<16xf32>
      %parallel_loop3A_219 = arith.addf %parallel_loop3A_207, %parallel_loop3A_218 : vector<16xf32>
      %parallel_loop3A_220 = arith.index_cast %parallel_loop3A_206 : i32 to index
      %parallel_loop3A_221 = arith.constant 16 : index
      %parallel_loop3A_222 = tpu.vector_load %arg6[%parallel_loop3A_220, %parallel_loop3A_221] {strides = array<i32>} : memref<512x128xf32, #tpu.memory_space<vmem>>, vector<1x16xf32>,
      %parallel_loop3A_223 = vector.shape_cast %parallel_loop3A_222 : vector<1x16xf32> to vector<16xf32>
      %parallel_loop3A_224 = arith.addf %parallel_loop3A_208, %parallel_loop3A_223 : vector<16xf32>
      %parallel_loop3A_225 = arith.index_cast %parallel_loop3A_206 : i32 to index
      %parallel_loop3A_226 = arith.constant 32 : index
      %parallel_loop3A_227 = tpu.vector_load %arg6[%parallel_loop3A_225, %parallel_loop3A_226] {strides = array<i32>} : memref<512x128xf32, #tpu.memory_space<vmem>>, vector<1x16xf32>,
      %parallel_loop3A_228 = vector.shape_cast %parallel_loop3A_227 : vector<1x16xf32> to vector<16xf32>
      %parallel_loop3A_229 = arith.addf %parallel_loop3A_209, %parallel_loop3A_228 : vector<16xf32>
      %parallel_loop3A_230 = arith.index_cast %parallel_loop3A_206 : i32 to index
      %parallel_loop3A_231 = arith.constant 48 : index
      %parallel_loop3A_232 = tpu.vector_load %arg6[%parallel_loop3A_230, %parallel_loop3A_231] {strides = array<i32>} : memref<512x128xf32, #tpu.memory_space<vmem>>, vector<1x16xf32>,
      %parallel_loop3A_233 = vector.shape_cast %parallel_loop3A_232 : vector<1x16xf32> to vector<16xf32>
      %parallel_loop3A_234 = arith.addf %parallel_loop3A_210, %parallel_loop3A_233 : vector<16xf32>
      %parallel_loop3A_235 = arith.index_cast %parallel_loop3A_206 : i32 to index
      %parallel_loop3A_236 = arith.constant 64 : index
      %parallel_loop3A_237 = tpu.vector_load %arg6[%parallel_loop3A_235, %parallel_loop3A_236] {strides = array<i32>} : memref<512x128xf32, #tpu.memory_space<vmem>>, vector<1x16xf32>,
      %parallel_loop3A_238 = vector.shape_cast %parallel_loop3A_237 : vector<1x16xf32> to vector<16xf32>
      %parallel_loop3A_239 = arith.addf %parallel_loop3A_211, %parallel_loop3A_238 : vector<16xf32>
      %parallel_loop3A_240 = arith.index_cast %parallel_loop3A_206 : i32 to index
      %parallel_loop3A_241 = arith.constant 80 : index
      %parallel_loop3A_242 = tpu.vector_load %arg6[%parallel_loop3A_240, %parallel_loop3A_241] {strides = array<i32>} : memref<512x128xf32, #tpu.memory_space<vmem>>, vector<1x16xf32>,
      %parallel_loop3A_243 = vector.shape_cast %parallel_loop3A_242 : vector<1x16xf32> to vector<16xf32>
      %parallel_loop3A_244 = arith.addf %parallel_loop3A_212, %parallel_loop3A_243 : vector<16xf32>
      %parallel_loop3A_245 = arith.index_cast %parallel_loop3A_206 : i32 to index
      %parallel_loop3A_246 = arith.constant 96 : index
      %parallel_loop3A_247 = tpu.vector_load %arg6[%parallel_loop3A_245, %parallel_loop3A_246] {strides = array<i32>} : memref<512x128xf32, #tpu.memory_space<vmem>>, vector<1x16xf32>,
      %parallel_loop3A_248 = vector.shape_cast %parallel_loop3A_247 : vector<1x16xf32> to vector<16xf32>
      %parallel_loop3A_249 = arith.addf %parallel_loop3A_213, %parallel_loop3A_248 : vector<16xf32>
      %parallel_loop3A_250 = arith.index_cast %parallel_loop3A_206 : i32 to index
      %parallel_loop3A_251 = arith.constant 112 : index
      %parallel_loop3A_252 = tpu.vector_load %arg6[%parallel_loop3A_250, %parallel_loop3A_251] {strides = array<i32>} : memref<512x128xf32, #tpu.memory_space<vmem>>, vector<1x16xf32>,
      %parallel_loop3A_253 = vector.shape_cast %parallel_loop3A_252 : vector<1x16xf32> to vector<16xf32>
      %parallel_loop3A_254 = arith.addf %parallel_loop3A_214, %parallel_loop3A_253 : vector<16xf32>
      scf.yield %parallel_loop3A_219, %parallel_loop3A_224, %parallel_loop3A_229, %parallel_loop3A_234, %parallel_loop3A_239, %parallel_loop3A_244, %parallel_loop3A_249, %parallel_loop3A_254 : vector<16xf32>, vector<16xf32>, vector<16xf32>, vector<16xf32>, vector<16xf32>, vector<16xf32>, vector<16xf32>, vector<16xf32>
    } {sc.loop_unroll_factor = 1 : i64, sc.parallel_access}
    %dma_wait3A_139 = arith.constant 320 : i32
    %dma_wait3A_140 = arith.constant 0 : i32
    %dma_wait3A_141 = tpu.memref_slice %arg6[%dma_wait3A_139, %dma_wait3A_140] : memref<512x128xf32, #tpu.memory_space<vmem>> -> memref<64x128xf32, #tpu.memory_space<vmem>>
    %dma_wait3A_142 = arith.constant 320 : i32
    %dma_wait3A_143 = tpu.memref_slice %arg5[%dma_wait3A_142] : memref<512xi32, #tpu.memory_space<vmem>> -> memref<64xi32, #tpu.memory_space<vmem>>
    %dma_wait3A_144 = arith.constant 0 : i32
    %dma_wait3A_145 = arith.constant 0 : i32
    %dma_wait3A_146 = tpu.memref_slice %arg3[%dma_wait3A_144, %dma_wait3A_145] : memref<100000x128xf32, #tpu.memory_space<hbm>> -> memref<100000x128xf32, #tpu.memory_space<hbm>>
    tpu.wait_indirect_dma semaphore(%arg13 : memref<!tpu.dma_semaphore, #tpu.memory_space<semaphore_mem>>) src(%dma_wait3A_146 : memref<100000x128xf32, #tpu.memory_space<hbm>>) dst(%dma_wait3A_141 : memref<64x128xf32, #tpu.memory_space<vmem>>)
    %parallel_loop3A_147 = arith.constant 320 : i32
    %parallel_loop3A_148 = arith.constant 384 : i32
    %parallel_loop3A_149 = arith.constant 1 : i32
    %parallel_loop3A_150:8 = scf.for %parallel_loop3A_206 = %parallel_loop3A_147 to %parallel_loop3A_148 step %parallel_loop3A_149 iter_args(%parallel_loop3A_207 = %parallel_loop3A_138#0, %parallel_loop3A_208 = %parallel_loop3A_138#1, %parallel_loop3A_209 = %parallel_loop3A_138#2, %parallel_loop3A_210 = %parallel_loop3A_138#3, %parallel_loop3A_211 = %parallel_loop3A_138#4, %parallel_loop3A_212 = %parallel_loop3A_138#5, %parallel_loop3A_213 = %parallel_loop3A_138#6, %parallel_loop3A_214 = %parallel_loop3A_138#7) -> (vector<16xf32>, vector<16xf32>, vector<16xf32>, vector<16xf32>, vector<16xf32>, vector<16xf32>, vector<16xf32>, vector<16xf32>)  : i32 {
      %parallel_loop3A_215 = arith.index_cast %parallel_loop3A_206 : i32 to index
      %parallel_loop3A_216 = arith.constant 0 : index
      %parallel_loop3A_217 = tpu.vector_load %arg6[%parallel_loop3A_215, %parallel_loop3A_216] {strides = array<i32>} : memref<512x128xf32, #tpu.memory_space<vmem>>, vector<1x16xf32>,
      %parallel_loop3A_218 = vector.shape_cast %parallel_loop3A_217 : vector<1x16xf32> to vector<16xf32>
      %parallel_loop3A_219 = arith.addf %parallel_loop3A_207, %parallel_loop3A_218 : vector<16xf32>
      %parallel_loop3A_220 = arith.index_cast %parallel_loop3A_206 : i32 to index
      %parallel_loop3A_221 = arith.constant 16 : index
      %parallel_loop3A_222 = tpu.vector_load %arg6[%parallel_loop3A_220, %parallel_loop3A_221] {strides = array<i32>} : memref<512x128xf32, #tpu.memory_space<vmem>>, vector<1x16xf32>,
      %parallel_loop3A_223 = vector.shape_cast %parallel_loop3A_222 : vector<1x16xf32> to vector<16xf32>
      %parallel_loop3A_224 = arith.addf %parallel_loop3A_208, %parallel_loop3A_223 : vector<16xf32>
      %parallel_loop3A_225 = arith.index_cast %parallel_loop3A_206 : i32 to index
      %parallel_loop3A_226 = arith.constant 32 : index
      %parallel_loop3A_227 = tpu.vector_load %arg6[%parallel_loop3A_225, %parallel_loop3A_226] {strides = array<i32>} : memref<512x128xf32, #tpu.memory_space<vmem>>, vector<1x16xf32>,
      %parallel_loop3A_228 = vector.shape_cast %parallel_loop3A_227 : vector<1x16xf32> to vector<16xf32>
      %parallel_loop3A_229 = arith.addf %parallel_loop3A_209, %parallel_loop3A_228 : vector<16xf32>
      %parallel_loop3A_230 = arith.index_cast %parallel_loop3A_206 : i32 to index
      %parallel_loop3A_231 = arith.constant 48 : index
      %parallel_loop3A_232 = tpu.vector_load %arg6[%parallel_loop3A_230, %parallel_loop3A_231] {strides = array<i32>} : memref<512x128xf32, #tpu.memory_space<vmem>>, vector<1x16xf32>,
      %parallel_loop3A_233 = vector.shape_cast %parallel_loop3A_232 : vector<1x16xf32> to vector<16xf32>
      %parallel_loop3A_234 = arith.addf %parallel_loop3A_210, %parallel_loop3A_233 : vector<16xf32>
      %parallel_loop3A_235 = arith.index_cast %parallel_loop3A_206 : i32 to index
      %parallel_loop3A_236 = arith.constant 64 : index
      %parallel_loop3A_237 = tpu.vector_load %arg6[%parallel_loop3A_235, %parallel_loop3A_236] {strides = array<i32>} : memref<512x128xf32, #tpu.memory_space<vmem>>, vector<1x16xf32>,
      %parallel_loop3A_238 = vector.shape_cast %parallel_loop3A_237 : vector<1x16xf32> to vector<16xf32>
      %parallel_loop3A_239 = arith.addf %parallel_loop3A_211, %parallel_loop3A_238 : vector<16xf32>
      %parallel_loop3A_240 = arith.index_cast %parallel_loop3A_206 : i32 to index
      %parallel_loop3A_241 = arith.constant 80 : index
      %parallel_loop3A_242 = tpu.vector_load %arg6[%parallel_loop3A_240, %parallel_loop3A_241] {strides = array<i32>} : memref<512x128xf32, #tpu.memory_space<vmem>>, vector<1x16xf32>,
      %parallel_loop3A_243 = vector.shape_cast %parallel_loop3A_242 : vector<1x16xf32> to vector<16xf32>
      %parallel_loop3A_244 = arith.addf %parallel_loop3A_212, %parallel_loop3A_243 : vector<16xf32>
      %parallel_loop3A_245 = arith.index_cast %parallel_loop3A_206 : i32 to index
      %parallel_loop3A_246 = arith.constant 96 : index
      %parallel_loop3A_247 = tpu.vector_load %arg6[%parallel_loop3A_245, %parallel_loop3A_246] {strides = array<i32>} : memref<512x128xf32, #tpu.memory_space<vmem>>, vector<1x16xf32>,
      %parallel_loop3A_248 = vector.shape_cast %parallel_loop3A_247 : vector<1x16xf32> to vector<16xf32>
      %parallel_loop3A_249 = arith.addf %parallel_loop3A_213, %parallel_loop3A_248 : vector<16xf32>
      %parallel_loop3A_250 = arith.index_cast %parallel_loop3A_206 : i32 to index
      %parallel_loop3A_251 = arith.constant 112 : index
      %parallel_loop3A_252 = tpu.vector_load %arg6[%parallel_loop3A_250, %parallel_loop3A_251] {strides = array<i32>} : memref<512x128xf32, #tpu.memory_space<vmem>>, vector<1x16xf32>,
      %parallel_loop3A_253 = vector.shape_cast %parallel_loop3A_252 : vector<1x16xf32> to vector<16xf32>
      %parallel_loop3A_254 = arith.addf %parallel_loop3A_214, %parallel_loop3A_253 : vector<16xf32>
      scf.yield %parallel_loop3A_219, %parallel_loop3A_224, %parallel_loop3A_229, %parallel_loop3A_234, %parallel_loop3A_239, %parallel_loop3A_244, %parallel_loop3A_249, %parallel_loop3A_254 : vector<16xf32>, vector<16xf32>, vector<16xf32>, vector<16xf32>, vector<16xf32>, vector<16xf32>, vector<16xf32>, vector<16xf32>
    } {sc.loop_unroll_factor = 1 : i64, sc.parallel_access}
    %dma_wait3A_151 = arith.constant 384 : i32
    %dma_wait3A_152 = arith.constant 0 : i32
    %dma_wait3A_153 = tpu.memref_slice %arg6[%dma_wait3A_151, %dma_wait3A_152] : memref<512x128xf32, #tpu.memory_space<vmem>> -> memref<64x128xf32, #tpu.memory_space<vmem>>
    %dma_wait3A_154 = arith.constant 384 : i32
    %dma_wait3A_155 = tpu.memref_slice %arg5[%dma_wait3A_154] : memref<512xi32, #tpu.memory_space<vmem>> -> memref<64xi32, #tpu.memory_space<vmem>>
    %dma_wait3A_156 = arith.constant 0 : i32
    %dma_wait3A_157 = arith.constant 0 : i32
    %dma_wait3A_158 = tpu.memref_slice %arg3[%dma_wait3A_156, %dma_wait3A_157] : memref<100000x128xf32, #tpu.memory_space<hbm>> -> memref<100000x128xf32, #tpu.memory_space<hbm>>
    tpu.wait_indirect_dma semaphore(%arg14 : memref<!tpu.dma_semaphore, #tpu.memory_space<semaphore_mem>>) src(%dma_wait3A_158 : memref<100000x128xf32, #tpu.memory_space<hbm>>) dst(%dma_wait3A_153 : memref<64x128xf32, #tpu.memory_space<vmem>>)
    %parallel_loop3A_159 = arith.constant 384 : i32
    %parallel_loop3A_160 = arith.constant 448 : i32
    %parallel_loop3A_161 = arith.constant 1 : i32
    %parallel_loop3A_162:8 = scf.for %parallel_loop3A_206 = %parallel_loop3A_159 to %parallel_loop3A_160 step %parallel_loop3A_161 iter_args(%parallel_loop3A_207 = %parallel_loop3A_150#0, %parallel_loop3A_208 = %parallel_loop3A_150#1, %parallel_loop3A_209 = %parallel_loop3A_150#2, %parallel_loop3A_210 = %parallel_loop3A_150#3, %parallel_loop3A_211 = %parallel_loop3A_150#4, %parallel_loop3A_212 = %parallel_loop3A_150#5, %parallel_loop3A_213 = %parallel_loop3A_150#6, %parallel_loop3A_214 = %parallel_loop3A_150#7) -> (vector<16xf32>, vector<16xf32>, vector<16xf32>, vector<16xf32>, vector<16xf32>, vector<16xf32>, vector<16xf32>, vector<16xf32>)  : i32 {
      %parallel_loop3A_215 = arith.index_cast %parallel_loop3A_206 : i32 to index
      %parallel_loop3A_216 = arith.constant 0 : index
      %parallel_loop3A_217 = tpu.vector_load %arg6[%parallel_loop3A_215, %parallel_loop3A_216] {strides = array<i32>} : memref<512x128xf32, #tpu.memory_space<vmem>>, vector<1x16xf32>,
      %parallel_loop3A_218 = vector.shape_cast %parallel_loop3A_217 : vector<1x16xf32> to vector<16xf32>
      %parallel_loop3A_219 = arith.addf %parallel_loop3A_207, %parallel_loop3A_218 : vector<16xf32>
      %parallel_loop3A_220 = arith.index_cast %parallel_loop3A_206 : i32 to index
      %parallel_loop3A_221 = arith.constant 16 : index
      %parallel_loop3A_222 = tpu.vector_load %arg6[%parallel_loop3A_220, %parallel_loop3A_221] {strides = array<i32>} : memref<512x128xf32, #tpu.memory_space<vmem>>, vector<1x16xf32>,
      %parallel_loop3A_223 = vector.shape_cast %parallel_loop3A_222 : vector<1x16xf32> to vector<16xf32>
      %parallel_loop3A_224 = arith.addf %parallel_loop3A_208, %parallel_loop3A_223 : vector<16xf32>
      %parallel_loop3A_225 = arith.index_cast %parallel_loop3A_206 : i32 to index
      %parallel_loop3A_226 = arith.constant 32 : index
      %parallel_loop3A_227 = tpu.vector_load %arg6[%parallel_loop3A_225, %parallel_loop3A_226] {strides = array<i32>} : memref<512x128xf32, #tpu.memory_space<vmem>>, vector<1x16xf32>,
      %parallel_loop3A_228 = vector.shape_cast %parallel_loop3A_227 : vector<1x16xf32> to vector<16xf32>
      %parallel_loop3A_229 = arith.addf %parallel_loop3A_209, %parallel_loop3A_228 : vector<16xf32>
      %parallel_loop3A_230 = arith.index_cast %parallel_loop3A_206 : i32 to index
      %parallel_loop3A_231 = arith.constant 48 : index
      %parallel_loop3A_232 = tpu.vector_load %arg6[%parallel_loop3A_230, %parallel_loop3A_231] {strides = array<i32>} : memref<512x128xf32, #tpu.memory_space<vmem>>, vector<1x16xf32>,
      %parallel_loop3A_233 = vector.shape_cast %parallel_loop3A_232 : vector<1x16xf32> to vector<16xf32>
      %parallel_loop3A_234 = arith.addf %parallel_loop3A_210, %parallel_loop3A_233 : vector<16xf32>
      %parallel_loop3A_235 = arith.index_cast %parallel_loop3A_206 : i32 to index
      %parallel_loop3A_236 = arith.constant 64 : index
      %parallel_loop3A_237 = tpu.vector_load %arg6[%parallel_loop3A_235, %parallel_loop3A_236] {strides = array<i32>} : memref<512x128xf32, #tpu.memory_space<vmem>>, vector<1x16xf32>,
      %parallel_loop3A_238 = vector.shape_cast %parallel_loop3A_237 : vector<1x16xf32> to vector<16xf32>
      %parallel_loop3A_239 = arith.addf %parallel_loop3A_211, %parallel_loop3A_238 : vector<16xf32>
      %parallel_loop3A_240 = arith.index_cast %parallel_loop3A_206 : i32 to index
      %parallel_loop3A_241 = arith.constant 80 : index
      %parallel_loop3A_242 = tpu.vector_load %arg6[%parallel_loop3A_240, %parallel_loop3A_241] {strides = array<i32>} : memref<512x128xf32, #tpu.memory_space<vmem>>, vector<1x16xf32>,
      %parallel_loop3A_243 = vector.shape_cast %parallel_loop3A_242 : vector<1x16xf32> to vector<16xf32>
      %parallel_loop3A_244 = arith.addf %parallel_loop3A_212, %parallel_loop3A_243 : vector<16xf32>
      %parallel_loop3A_245 = arith.index_cast %parallel_loop3A_206 : i32 to index
      %parallel_loop3A_246 = arith.constant 96 : index
      %parallel_loop3A_247 = tpu.vector_load %arg6[%parallel_loop3A_245, %parallel_loop3A_246] {strides = array<i32>} : memref<512x128xf32, #tpu.memory_space<vmem>>, vector<1x16xf32>,
      %parallel_loop3A_248 = vector.shape_cast %parallel_loop3A_247 : vector<1x16xf32> to vector<16xf32>
      %parallel_loop3A_249 = arith.addf %parallel_loop3A_213, %parallel_loop3A_248 : vector<16xf32>
      %parallel_loop3A_250 = arith.index_cast %parallel_loop3A_206 : i32 to index
      %parallel_loop3A_251 = arith.constant 112 : index
      %parallel_loop3A_252 = tpu.vector_load %arg6[%parallel_loop3A_250, %parallel_loop3A_251] {strides = array<i32>} : memref<512x128xf32, #tpu.memory_space<vmem>>, vector<1x16xf32>,
      %parallel_loop3A_253 = vector.shape_cast %parallel_loop3A_252 : vector<1x16xf32> to vector<16xf32>
      %parallel_loop3A_254 = arith.addf %parallel_loop3A_214, %parallel_loop3A_253 : vector<16xf32>
      scf.yield %parallel_loop3A_219, %parallel_loop3A_224, %parallel_loop3A_229, %parallel_loop3A_234, %parallel_loop3A_239, %parallel_loop3A_244, %parallel_loop3A_249, %parallel_loop3A_254 : vector<16xf32>, vector<16xf32>, vector<16xf32>, vector<16xf32>, vector<16xf32>, vector<16xf32>, vector<16xf32>, vector<16xf32>
    } {sc.loop_unroll_factor = 1 : i64, sc.parallel_access}
    %dma_wait3A_163 = arith.constant 448 : i32
    %dma_wait3A_164 = arith.constant 0 : i32
    %dma_wait3A_165 = tpu.memref_slice %arg6[%dma_wait3A_163, %dma_wait3A_164] : memref<512x128xf32, #tpu.memory_space<vmem>> -> memref<64x128xf32, #tpu.memory_space<vmem>>
    %dma_wait3A_166 = arith.constant 448 : i32
    %dma_wait3A_167 = tpu.memref_slice %arg5[%dma_wait3A_166] : memref<512xi32, #tpu.memory_space<vmem>> -> memref<64xi32, #tpu.memory_space<vmem>>
    %dma_wait3A_168 = arith.constant 0 : i32
    %dma_wait3A_169 = arith.constant 0 : i32
    %dma_wait3A_170 = tpu.memref_slice %arg3[%dma_wait3A_168, %dma_wait3A_169] : memref<100000x128xf32, #tpu.memory_space<hbm>> -> memref<100000x128xf32, #tpu.memory_space<hbm>>
    tpu.wait_indirect_dma semaphore(%arg15 : memref<!tpu.dma_semaphore, #tpu.memory_space<semaphore_mem>>) src(%dma_wait3A_170 : memref<100000x128xf32, #tpu.memory_space<hbm>>) dst(%dma_wait3A_165 : memref<64x128xf32, #tpu.memory_space<vmem>>)
    %parallel_loop3A_171 = arith.constant 448 : i32
    %parallel_loop3A_172 = arith.constant 512 : i32
    %parallel_loop3A_173 = arith.constant 1 : i32
    %parallel_loop3A_174:8 = scf.for %parallel_loop3A_206 = %parallel_loop3A_171 to %parallel_loop3A_172 step %parallel_loop3A_173 iter_args(%parallel_loop3A_207 = %parallel_loop3A_162#0, %parallel_loop3A_208 = %parallel_loop3A_162#1, %parallel_loop3A_209 = %parallel_loop3A_162#2, %parallel_loop3A_210 = %parallel_loop3A_162#3, %parallel_loop3A_211 = %parallel_loop3A_162#4, %parallel_loop3A_212 = %parallel_loop3A_162#5, %parallel_loop3A_213 = %parallel_loop3A_162#6, %parallel_loop3A_214 = %parallel_loop3A_162#7) -> (vector<16xf32>, vector<16xf32>, vector<16xf32>, vector<16xf32>, vector<16xf32>, vector<16xf32>, vector<16xf32>, vector<16xf32>)  : i32 {
      %parallel_loop3A_215 = arith.index_cast %parallel_loop3A_206 : i32 to index
      %parallel_loop3A_216 = arith.constant 0 : index
      %parallel_loop3A_217 = tpu.vector_load %arg6[%parallel_loop3A_215, %parallel_loop3A_216] {strides = array<i32>} : memref<512x128xf32, #tpu.memory_space<vmem>>, vector<1x16xf32>,
      %parallel_loop3A_218 = vector.shape_cast %parallel_loop3A_217 : vector<1x16xf32> to vector<16xf32>
      %parallel_loop3A_219 = arith.addf %parallel_loop3A_207, %parallel_loop3A_218 : vector<16xf32>
      %parallel_loop3A_220 = arith.index_cast %parallel_loop3A_206 : i32 to index
      %parallel_loop3A_221 = arith.constant 16 : index
      %parallel_loop3A_222 = tpu.vector_load %arg6[%parallel_loop3A_220, %parallel_loop3A_221] {strides = array<i32>} : memref<512x128xf32, #tpu.memory_space<vmem>>, vector<1x16xf32>,
      %parallel_loop3A_223 = vector.shape_cast %parallel_loop3A_222 : vector<1x16xf32> to vector<16xf32>
      %parallel_loop3A_224 = arith.addf %parallel_loop3A_208, %parallel_loop3A_223 : vector<16xf32>
      %parallel_loop3A_225 = arith.index_cast %parallel_loop3A_206 : i32 to index
      %parallel_loop3A_226 = arith.constant 32 : index
      %parallel_loop3A_227 = tpu.vector_load %arg6[%parallel_loop3A_225, %parallel_loop3A_226] {strides = array<i32>} : memref<512x128xf32, #tpu.memory_space<vmem>>, vector<1x16xf32>,
      %parallel_loop3A_228 = vector.shape_cast %parallel_loop3A_227 : vector<1x16xf32> to vector<16xf32>
      %parallel_loop3A_229 = arith.addf %parallel_loop3A_209, %parallel_loop3A_228 : vector<16xf32>
      %parallel_loop3A_230 = arith.index_cast %parallel_loop3A_206 : i32 to index
      %parallel_loop3A_231 = arith.constant 48 : index
      %parallel_loop3A_232 = tpu.vector_load %arg6[%parallel_loop3A_230, %parallel_loop3A_231] {strides = array<i32>} : memref<512x128xf32, #tpu.memory_space<vmem>>, vector<1x16xf32>,
      %parallel_loop3A_233 = vector.shape_cast %parallel_loop3A_232 : vector<1x16xf32> to vector<16xf32>
      %parallel_loop3A_234 = arith.addf %parallel_loop3A_210, %parallel_loop3A_233 : vector<16xf32>
      %parallel_loop3A_235 = arith.index_cast %parallel_loop3A_206 : i32 to index
      %parallel_loop3A_236 = arith.constant 64 : index
      %parallel_loop3A_237 = tpu.vector_load %arg6[%parallel_loop3A_235, %parallel_loop3A_236] {strides = array<i32>} : memref<512x128xf32, #tpu.memory_space<vmem>>, vector<1x16xf32>,
      %parallel_loop3A_238 = vector.shape_cast %parallel_loop3A_237 : vector<1x16xf32> to vector<16xf32>
      %parallel_loop3A_239 = arith.addf %parallel_loop3A_211, %parallel_loop3A_238 : vector<16xf32>
      %parallel_loop3A_240 = arith.index_cast %parallel_loop3A_206 : i32 to index
      %parallel_loop3A_241 = arith.constant 80 : index
      %parallel_loop3A_242 = tpu.vector_load %arg6[%parallel_loop3A_240, %parallel_loop3A_241] {strides = array<i32>} : memref<512x128xf32, #tpu.memory_space<vmem>>, vector<1x16xf32>,
      %parallel_loop3A_243 = vector.shape_cast %parallel_loop3A_242 : vector<1x16xf32> to vector<16xf32>
      %parallel_loop3A_244 = arith.addf %parallel_loop3A_212, %parallel_loop3A_243 : vector<16xf32>
      %parallel_loop3A_245 = arith.index_cast %parallel_loop3A_206 : i32 to index
      %parallel_loop3A_246 = arith.constant 96 : index
      %parallel_loop3A_247 = tpu.vector_load %arg6[%parallel_loop3A_245, %parallel_loop3A_246] {strides = array<i32>} : memref<512x128xf32, #tpu.memory_space<vmem>>, vector<1x16xf32>,
      %parallel_loop3A_248 = vector.shape_cast %parallel_loop3A_247 : vector<1x16xf32> to vector<16xf32>
      %parallel_loop3A_249 = arith.addf %parallel_loop3A_213, %parallel_loop3A_248 : vector<16xf32>
      %parallel_loop3A_250 = arith.index_cast %parallel_loop3A_206 : i32 to index
      %parallel_loop3A_251 = arith.constant 112 : index
      %parallel_loop3A_252 = tpu.vector_load %arg6[%parallel_loop3A_250, %parallel_loop3A_251] {strides = array<i32>} : memref<512x128xf32, #tpu.memory_space<vmem>>, vector<1x16xf32>,
      %parallel_loop3A_253 = vector.shape_cast %parallel_loop3A_252 : vector<1x16xf32> to vector<16xf32>
      %parallel_loop3A_254 = arith.addf %parallel_loop3A_214, %parallel_loop3A_253 : vector<16xf32>
      scf.yield %parallel_loop3A_219, %parallel_loop3A_224, %parallel_loop3A_229, %parallel_loop3A_234, %parallel_loop3A_239, %parallel_loop3A_244, %parallel_loop3A_249, %parallel_loop3A_254 : vector<16xf32>, vector<16xf32>, vector<16xf32>, vector<16xf32>, vector<16xf32>, vector<16xf32>, vector<16xf32>, vector<16xf32>
    } {sc.loop_unroll_factor = 1 : i64, sc.parallel_access}
    %swap3A = arith.constant 0 : index
    %swap3A_175 = tpu.vector_load %arg7[%swap3A] {strides = array<i32>} : memref<128xf32, #tpu.memory_space<vmem>>, vector<16xf32>,
    %swap3A_176 = vector.shape_cast %swap3A_175 : vector<16xf32> to vector<16xf32>
    %swap3A_177 = vector.shape_cast %parallel_loop3A_174#0 : vector<16xf32> to vector<16xf32>
    tpu.vector_store %arg7[%swap3A], %swap3A_177 {strides = array<i32>} : memref<128xf32, #tpu.memory_space<vmem>>, vector<16xf32>,
    %swap3A_178 = arith.constant 16 : index
    %swap3A_179 = tpu.vector_load %arg7[%swap3A_178] {strides = array<i32>} : memref<128xf32, #tpu.memory_space<vmem>>, vector<16xf32>,
    %swap3A_180 = vector.shape_cast %swap3A_179 : vector<16xf32> to vector<16xf32>
    %swap3A_181 = vector.shape_cast %parallel_loop3A_174#1 : vector<16xf32> to vector<16xf32>
    tpu.vector_store %arg7[%swap3A_178], %swap3A_181 {strides = array<i32>} : memref<128xf32, #tpu.memory_space<vmem>>, vector<16xf32>,
    %swap3A_182 = arith.constant 32 : index
    %swap3A_183 = tpu.vector_load %arg7[%swap3A_182] {strides = array<i32>} : memref<128xf32, #tpu.memory_space<vmem>>, vector<16xf32>,
    %swap3A_184 = vector.shape_cast %swap3A_183 : vector<16xf32> to vector<16xf32>
    %swap3A_185 = vector.shape_cast %parallel_loop3A_174#2 : vector<16xf32> to vector<16xf32>
    tpu.vector_store %arg7[%swap3A_182], %swap3A_185 {strides = array<i32>} : memref<128xf32, #tpu.memory_space<vmem>>, vector<16xf32>,
    %swap3A_186 = arith.constant 48 : index
    %swap3A_187 = tpu.vector_load %arg7[%swap3A_186] {strides = array<i32>} : memref<128xf32, #tpu.memory_space<vmem>>, vector<16xf32>,
    %swap3A_188 = vector.shape_cast %swap3A_187 : vector<16xf32> to vector<16xf32>
    %swap3A_189 = vector.shape_cast %parallel_loop3A_174#3 : vector<16xf32> to vector<16xf32>
    tpu.vector_store %arg7[%swap3A_186], %swap3A_189 {strides = array<i32>} : memref<128xf32, #tpu.memory_space<vmem>>, vector<16xf32>,
    %swap3A_190 = arith.constant 64 : index
    %swap3A_191 = tpu.vector_load %arg7[%swap3A_190] {strides = array<i32>} : memref<128xf32, #tpu.memory_space<vmem>>, vector<16xf32>,
    %swap3A_192 = vector.shape_cast %swap3A_191 : vector<16xf32> to vector<16xf32>
    %swap3A_193 = vector.shape_cast %parallel_loop3A_174#4 : vector<16xf32> to vector<16xf32>
    tpu.vector_store %arg7[%swap3A_190], %swap3A_193 {strides = array<i32>} : memref<128xf32, #tpu.memory_space<vmem>>, vector<16xf32>,
    %swap3A_194 = arith.constant 80 : index
    %swap3A_195 = tpu.vector_load %arg7[%swap3A_194] {strides = array<i32>} : memref<128xf32, #tpu.memory_space<vmem>>, vector<16xf32>,
    %swap3A_196 = vector.shape_cast %swap3A_195 : vector<16xf32> to vector<16xf32>
    %swap3A_197 = vector.shape_cast %parallel_loop3A_174#5 : vector<16xf32> to vector<16xf32>
    tpu.vector_store %arg7[%swap3A_194], %swap3A_197 {strides = array<i32>} : memref<128xf32, #tpu.memory_space<vmem>>, vector<16xf32>,
    %swap3A_198 = arith.constant 96 : index
    %swap3A_199 = tpu.vector_load %arg7[%swap3A_198] {strides = array<i32>} : memref<128xf32, #tpu.memory_space<vmem>>, vector<16xf32>,
    %swap3A_200 = vector.shape_cast %swap3A_199 : vector<16xf32> to vector<16xf32>
    %swap3A_201 = vector.shape_cast %parallel_loop3A_174#6 : vector<16xf32> to vector<16xf32>
    tpu.vector_store %arg7[%swap3A_198], %swap3A_201 {strides = array<i32>} : memref<128xf32, #tpu.memory_space<vmem>>, vector<16xf32>,
    %swap3A_202 = arith.constant 112 : index
    %swap3A_203 = tpu.vector_load %arg7[%swap3A_202] {strides = array<i32>} : memref<128xf32, #tpu.memory_space<vmem>>, vector<16xf32>,
    %swap3A_204 = vector.shape_cast %swap3A_203 : vector<16xf32> to vector<16xf32>
    %swap3A_205 = vector.shape_cast %parallel_loop3A_174#7 : vector<16xf32> to vector<16xf32>
    tpu.vector_store %arg7[%swap3A_202], %swap3A_205 {strides = array<i32>} : memref<128xf32, #tpu.memory_space<vmem>>, vector<16xf32>,
    "tpu.region"() ({
      %run_scoped3A = tpu.sem_alloc : memref<!tpu.dma_semaphore, #tpu.memory_space<semaphore_mem>>
      %dma_start3A_206 = arith.constant 0 : i32
      %dma_start3A_207 = tpu.memref_slice %arg4[%add3A, %dma_start3A_206] : memref<32x128xf32, #tpu.memory_space<hbm>> -> memref<1x128xf32, #tpu.memory_space<hbm>>
      %dma_start3A_208 = tpu.memref_squeeze %dma_start3A_207 : memref<1x128xf32, #tpu.memory_space<hbm>> -> memref<128xf32, #tpu.memory_space<hbm>>
      %dma_start3A_209 = arith.constant 0 : i32
      %dma_start3A_210 = tpu.memref_slice %arg4[%add3A, %dma_start3A_209] : memref<32x128xf32, #tpu.memory_space<hbm>> -> memref<1x128xf32, #tpu.memory_space<hbm>>
      %dma_start3A_211 = tpu.memref_squeeze %dma_start3A_210 : memref<1x128xf32, #tpu.memory_space<hbm>> -> memref<128xf32, #tpu.memory_space<hbm>>
      tpu.enqueue_dma source(%arg7 : memref<128xf32, #tpu.memory_space<vmem>>) target(%dma_start3A_211 : memref<128xf32, #tpu.memory_space<hbm>>) target_semaphore(%run_scoped3A : memref<!tpu.dma_semaphore, #tpu.memory_space<semaphore_mem>>)
      %dma_wait3A_212 = arith.constant 0 : i32
      %dma_wait3A_213 = tpu.memref_slice %arg4[%add3A, %dma_wait3A_212] : memref<32x128xf32, #tpu.memory_space<hbm>> -> memref<1x128xf32, #tpu.memory_space<hbm>>
      %dma_wait3A_214 = tpu.memref_squeeze %dma_wait3A_213 : memref<1x128xf32, #tpu.memory_space<hbm>> -> memref<128xf32, #tpu.memory_space<hbm>>
      %dma_wait3A_215 = arith.constant 0 : i32
      %dma_wait3A_216 = tpu.memref_slice %arg4[%add3A, %dma_wait3A_215] : memref<32x128xf32, #tpu.memory_space<hbm>> -> memref<1x128xf32, #tpu.memory_space<hbm>>
      %dma_wait3A_217 = tpu.memref_squeeze %dma_wait3A_216 : memref<1x128xf32, #tpu.memory_space<hbm>> -> memref<128xf32, #tpu.memory_space<hbm>>
      tpu.wait_dma2 semaphore(%run_scoped3A : memref<!tpu.dma_semaphore, #tpu.memory_space<semaphore_mem>>) src(%arg7 : memref<128xf32, #tpu.memory_space<vmem>>) dst(%dma_wait3A_217 : memref<128xf32, #tpu.memory_space<hbm>>)
      tpu.yield
    }) : () -> ()
    return
  }
}

</mosaic_0001>

<sc_bundles>
// kernel: kernel.3.cloned.1.call-start
scs
__scs_entry_jumppad:
0x0: {  	(pc) =	sbr.rel $0x88, $3  }
0x1: {  	(tag) =	ssettag $0x0;
	lr =	simm.s32 $0x1  }
0x2: {  	[smem:$0x3F9E] =	sst lr;
	_ =	strace $0xD0000000  }
0x3: {  	_ = 	snop  }
0x4: {  	_ = 	snop  }
0x5: {  	_ = 	snop  }
0x6: {  	_ = 	snop  }
0x7: {  	_ = 	snop  }
__scs_overlays_trampoline_lowered:
0x8: {  	[smem:$0x3FAD] =	sst s0  }
0x9: {  	[smem:$0x3FAE] =	sst s1  }
0xa: {  	[smem:$0x3FAF] =	sst s2  }
0xb: {  	[smem:$0x3FB0] =	sst s3  }
0xc: {  	[smem:$0x3FB1] =	sst s4  }
0xd: {  	[smem:$0x3FB2] =	sst s5  }
0xe: {  	[smem:$0x3FB3] =	sst s6  }
0xf: {  	[smem:$0x3FB4] =	sst s7  }
0x10: {  	[smem:$0x3FB5] =	sst s8  }
0x11: {  	[smem:$0x3FB6] =	sst s9;
	s0 =	simm.s32 @!p0 $0x0  }
0x12: {  	s1 =	sld [smem:$0x3F9C];
	s0 =	simm.s32 @p0 $0x1  }
0x13: {  	[smem:$0x3FB7] =	sst s0;
	s0 =	simm.s32 @!p1 $0x0  }
0x14: {  	s2 =	sld [smem:$0x3F9B];
	s0 =	simm.s32 @p1 $0x1  }
0x15: {  	[smem:$0x3FB8] =	sst s0;
	s0 =	simm.s32 @!p2 $0x0  }
0x16: {  	s3 =	sld [smem:$0x3FDB];
	s0 =	simm.s32 @p2 $0x1  }
0x17: {  	s4 =	simm.s32 $0x1BF5;
	[smem:$0x3FBA] =	sst s0  }
0x18: {  	s0 =	sld [smem:$0x3F9D];
	_ =	swait.ge [sflag:s4], $0x0  }
0x19: {  	s7 =	sld [smem:$0x3F9E]  }
0x1a: {  	s8 =	sadd.s32 $0xFFFFE003, lr  }
0x1b: {  	s9 =	sadd.s32 $0xFFFFFEF7, lr;
	s5 =	simm.s32 $0xFFFFFFFF;
	p2 =	slt.u32 s8, $0xFFFFF086  }
0x1c: {  	p1 =	slt.u32 s9, $0xF7A;
	s5 =	simm.s32 @!p2 $0x0  }
0x1d: {  	s5 =	simm.s32 @p1 $0x1;
	p0 =	seq.s32 s7, s2  }
0x1e: {  	s7 =	smul.u32 @!p0 $0xF7A, s2;
	p2 =	seq.s32 @!p0 s5, $0x0  }
0x1f: {  	s9 =	smul.u32 $0xF7A, s1;
	s8 =	simm.s32 @!p0 $0x1BF5;
	p2 =	por !p2, p0  }
0x20: {  	[sflag:s8] =	ssyncset.s32 @!p0 $0xFFFFF086;
	s6 =	sadd.s32 @!p0 s3, s7;
	s7 =	simm.s32 @!p0 $0x108  }
0x21: {  	s3 =	sadd.s32 s3, s9;
	s6 =	sadd.s32 @!p0 $0x88, s6;
	s7 =	simm.s32 @p2 $0x1082  }
0x22: {  	[simem:s7], [sflag:s8] =	dma.local @!p0 [hbm:s6], $0xF7A  }
0x23: {  	s9 =	sor.u32 $0xD0000000, s2;
	s6 =	simm.s32 $0x108;
	_ =	swait.ge @!p0 [sflag:s8], $0x0  }
0x24: {  	s3 =	sadd.s32 $0x88, s3;
	s6 =	simm.s32 @!p1 $0x1082;
	[sflag:s4] =	ssyncset.s32 $0xFFFFF086  }
0x25: {  	[simem:s6], [sflag:s4] =	dma.local [hbm:s3], $0xF7A  }
0x26: {  	[smem:$0x3F9E] =	sst s1;
	(tag) =	ssettag s2;
	_ =	strace s9  }
0x27: {  	s1 =	sld [smem:$0x3FAE]  }
0x28: {  	s2 =	sld [smem:$0x3FAF]  }
0x29: {  	s4 =	sld [smem:$0x3FB1]  }
0x2a: {  	p0 =	seq.s32 s5, $0x0;
	s5 =	sld [smem:$0x3FB2]  }
0x2b: {  	s6 =	sld [smem:$0x3FB3]  }
0x2c: {  	s7 =	sld [smem:$0x3FB4]  }
0x2d: {  	s3 =	simm.s32 $0x108;
	s8 =	sld [smem:$0x3FB5]  }
0x2e: {  	s3 =	simm.s32 @!p0 $0x1082;
	s9 =	sld [smem:$0x3FB6]  }
0x2f: {  	lr =	sadd.s32 s0, s3;
	s0 =	sld [smem:$0x3FAD]  }
0x30: {  	s3 =	sld [smem:$0x3FB0]  }
0x31: {  	[smem:$0x3FB9] =	sst s10  }
0x32: {  	s10 =	sld [smem:$0x3FB7];
	_ =	sdelay $0x3  }
0x33: {  	p0 =	seq.s32 s10, $0x1;
	s10 =	sld [smem:$0x3FB9];
	_ =	sdelay $0x3  }
0x34: {  	[smem:$0x3FB9] =	sst s10  }
0x35: {  	s10 =	sld [smem:$0x3FB8];
	_ =	sdelay $0x3  }
0x36: {  	p1 =	seq.s32 s10, $0x1;
	s10 =	sld [smem:$0x3FB9];
	_ =	sdelay $0x3  }
0x37: {  	[smem:$0x3FB9] =	sst s10  }
0x38: {  	s10 =	sld [smem:$0x3FBA]  }
0x39: {  	_ = 	snop;
	(pc) =	sbr.ind lr, $3  }
0x3a: {  	_ = 	snop  }
0x3b: {  	_ = 	snop  }
0x3c: {  	p2 =	seq.s32 s10, $0x1;
	s10 =	sld [smem:$0x3FB9]  }
0x3d: {  	_ =	shalt  }
0x3e: {  	_ =	shalt  }
0x3f: {  	_ =	shalt  }
0x40: {  	_ =	shalt  }
0x41: {  	_ =	shalt  }
0x42: {  	_ =	shalt  }
0x43: {  	_ =	shalt  }
0x44: {  	_ =	shalt  }
0x45: {  	_ =	shalt  }
0x46: {  	_ =	shalt  }
0x47: {  	_ =	shalt  }
0x48: {  	_ =	shalt  }
0x49: {  	_ =	shalt  }
0x4a: {  	_ =	shalt  }
0x4b: {  	_ =	shalt  }
0x4c: {  	_ =	shalt  }
0x4d: {  	_ =	shalt  }
0x4e: {  	_ =	shalt  }
0x4f: {  	_ =	shalt  }
0x50: {  	_ =	shalt  }
0x51: {  	_ =	shalt  }
0x52: {  	_ =	shalt  }
0x53: {  	_ =	shalt  }
0x54: {  	_ =	shalt  }
0x55: {  	_ =	shalt  }
0x56: {  	_ =	shalt  }
0x57: {  	_ =	shalt  }
0x58: {  	_ =	shalt  }
0x59: {  	_ =	shalt  }
0x5a: {  	_ =	shalt  }
0x5b: {  	_ =	shalt  }
0x5c: {  	_ =	shalt  }
0x5d: {  	_ =	shalt  }
0x5e: {  	_ =	shalt  }
0x5f: {  	_ =	shalt  }
0x60: {  	_ =	shalt  }
0x61: {  	_ =	shalt  }
0x62: {  	_ =	shalt  }
0x63: {  	_ =	shalt  }
0x64: {  	_ =	shalt  }
0x65: {  	_ =	shalt  }
0x66: {  	_ =	shalt  }
0x67: {  	_ =	shalt  }
0x68: {  	_ =	shalt  }
0x69: {  	_ =	shalt  }
0x6a: {  	_ =	shalt  }
0x6b: {  	_ =	shalt  }
0x6c: {  	_ =	shalt  }
0x6d: {  	_ =	shalt  }
0x6e: {  	_ =	shalt  }
0x6f: {  	_ =	shalt  }
0x70: {  	_ =	shalt  }
0x71: {  	_ =	shalt  }
0x72: {  	_ =	shalt  }
0x73: {  	_ =	shalt  }
0x74: {  	_ =	shalt  }
0x75: {  	_ =	shalt  }
0x76: {  	_ =	shalt  }
0x77: {  	_ =	shalt  }
0x78: {  	_ =	shalt  }
0x79: {  	_ =	shalt  }
0x7a: {  	_ =	shalt  }
0x7b: {  	_ =	shalt  }
0x7c: {  	_ =	shalt  }
0x7d: {  	_ =	shalt  }
0x7e: {  	_ =	shalt  }
0x7f: {  	_ =	shalt  }
0x80: {  	_ =	shalt  }
0x81: {  	_ =	shalt  }
0x82: {  	_ =	shalt  }
0x83: {  	_ =	shalt  }
0x84: {  	_ =	shalt  }
0x85: {  	_ =	shalt  }
0x86: {  	_ =	shalt  }
0x87: {  	_ =	shalt  }
.Lfunc_end0:
.L_simem_size_0:
called_computation_lowered:
.L_overlay_start_0:
0x88: {  	s2 =	sld [smem:$0x3FD9]  }
0x89: {  	s3 =	sld [smem:$0x3FFE];
	_ =	sdelay $0x1  }
0x8a: {  	s1 =	srdreg.scid  }
0x8b: {  	s0 =	sand.u32 $0x1, s1  }
0x8c: {  	s17 =	sshll.u32 s0, $0xA;
	s2 =	sadd.s32 s3, s2  }
0x8d: {  	s2 =	sadd.s32 s2, s17  }
0x8e: {  	[smem:$0x3FC5] =	sst s2  }
0x8f: {  	_ = 	snop  }
0x90: {  	s2 =	sld [smem:$0x3FC9]  }
0x91: {  	s18 =	sld [smem:$0x3FC8];
	(tm) =	ssettm $0x1  }
0x92: {  	s4 =	sld [smem:$0x3FFB];
	_ =	sdelay $0x3  }
0x93: {  	_ =	strace s4  }
0x94: {  	s4 =	sld [smem:$0x3FFC];
	_ =	sdelay $0x3  }
0x95: {  	_ =	strace s4  }
0x96: {  	s4 =	sld [smem:$0x3FFD];
	_ =	sdelay $0x3  }
0x97: {  	_ =	strace s4  }
0x98: {  	_ =	strace $0x8FFFFFFF  }
0x99: {  	s19 =	sld [smem:$0x3FDB];
	_ =	sdelay $0x1  }
0x9a: {  	s5 =	simm.s32 $_scs_section_size  }
0x9b: {  	s6 =	simm.s32 $_size__tile_overlayer_lowered;
	s7 =	simm.s32 $_tile_overlayer_lowered  }
0x9c: {  	s22 =	simm.s32 $0x1BFF;
	s21 =	sshll.u32 s7, $0x1;
	s4 =	sadd.s32 s5, s19  }
0x9d: {  	s8 =	simm.s32 $0x0;
	s20 =	sshll.u32 s6, $0x1;
	s6 =	sadd.s32 s21, s4  }
0x9e: {  	[timem:s8], [sflag:s22] =	dma.local [hbm:s6], s20  }
0x9f: {  	_ =	swait.ge [sflag:s22], s20  }
0xa0: {  	s5 =	ssub.s32 $0x0, s20;
	[sflag:s22] =	ssyncset.done $0x0  }
0xa1: {  	[sflag:s22] =	ssyncadd.s32 s5;
	_ =	sdelay $0x1  }
0xa2: {  	s23 =	simm.s32 $0x1B8B  }
0xa3: {  	_ =	swait.ge [sflag:s23], $0x1  }
0xa4: {  	[sflag:s23] =	ssyncset.done $0x0  }
0xa5: {  	s25 =	simm.s32 $0x1B8E;
	s24 =	sld [smem:$0x3FFE];
	[sflag:s23] =	ssyncadd.s32 $0xFFFFFFFF  }
0xa6: {  	s26 =	simm.s32 $execute0_lowered;
	[smem:$0x3FD2] =	sst s25  }
0xa7: {  	s6 =	sshll.u32 s26, $0x1;
	_ =	strace $0x80000046;
	[dreg:$0x1] =	wrdreg $0xFFFFFFFF  }
0xa8: {  	s28 =	simm.s32 $_size_execute0_lowered;
	s4 =	sadd.s32 s4, s6;
	[dreg:$0x0] =	wrdreg $0x0  }
0xa9: {  	s6 =	sshll.u32 s28, $0x1;
	[dreg:$0x2] =	wrdreg s4  }
0xaa: {  	[dreg:$0x3] =	wrdreg s6  }
0xab: {  	[dreg:$0x4] =	wrdreg $0xC0  }
0xac: {  	_ =	task [dreg:s8], $0x5FFFF  }
0xad: {  	[dreg:$0x1] =	wrdreg $0xFFFFFFFF  }
0xae: {  	[dreg:$0x0] =	wrdreg $0x60  }
0xaf: {  	[dreg:$0x2] =	wrdreg s2  }
0xb0: {  	[dreg:$0x3] =	wrdreg s18  }
0xb1: {  	[dreg:$0x4] =	wrdreg s24  }
0xb2: {  	[dreg:$0x5] =	wrdreg $0x9  }
0xb3: {  	_ =	task.clear_ibuf [dreg:s8], $0x6FFFF;
	_ =	strace $0x90000046  }
0xb4: {  	s29 =	simm.s32 $0x9;
	_ =	strace $0x80000048  }
0xb5: {  	_ =	swait.ge [sflag:s29], $0x1  }
0xb6: {  	[sflag:s29] =	ssyncadd.s32 $0xFFFFFFFF  }
0xb7: {  	_ =	strace $0x90000048  }
0xb8: {  	_ =	sfence  }
0xb9: {  	s30 =	sld [smem:$0x0];
	_ =	sdelay $0x2  }
0xba: {  	s31 =	sshll.u32 s1, $0xD;
	s1 =	sshrl.u32 s1, $0x2  }
0xbb: {  	s3 =	sand.u32 $0x4000, s31;
	s1 =	sadd.s32 s1, s30  }
0xbc: {  	s0 =	sor.u32 s3, s0;
	s1 =	sshll.u32 s1, $0x11  }
0xbd: {  	s0 =	sor.u32 s1, s0  }
0xbe: {  	s0 =	sadd.s32 $0x8F2B, s0  }
0xbf: {  	[sflag:s0] =	ssyncadd.remote.s32 $0x1  }
0xc0: {  	_ =	sfence.sel $0xFFFF  }
0xc1: {  	[dreg:$0x0] =	wrdreg $0xFFFFFFFF;
	(pc) =	sbr.abs _section_cstart, $3  }
0xc2: {  	[dreg:$0x1] =	wrdreg $0xFFFFFFFF  }
0xc3: {  	_ =	task.clear_ibuf [dreg:s8], $0x2FFFF;
	_ =	strace $0x9FFFFFFF  }
0xc4: {  	(tm) =	ssettm $0x7FFFFFFF  }
0xc5: {  	_ =	shalt  }
tec
execute0_lowered:
.L_overlay_start_1:
0x0: {  	(tag) =	ssettag $0x1  }
0x1: {  	s0 =	rddreg [dreg:$0x0]  }
0x2: {  	s1 =	rddreg [dreg:$0x1]  }
0x3: {  	s2 =	rddreg [dreg:$0x2]  }
0x4: {  	s3 =	srdreg.scid;
	s7 =	stileid.u32  }
0x5: {  	s8 =	simm.s32 $0x40;
	s12 =	simm.s32 $0x4200;
	s13 =	simm.s32 $0xC0  }
0x6: {  	s14 =	simm.s32 $0x6200;
	s15 =	simm.s32 $0x100;
	s16 =	simm.s32 $0x8200  }
0x7: {  	s17 =	simm.s32 $0x140;
	s18 =	simm.s32 $0xA200;
	s19 =	simm.s32 $0x180  }
0x8: {  	s20 =	simm.s32 $0xC200;
	s21 =	simm.s32 $0x1C0;
	s22 =	simm.s32 $0xE200  }
0x9: {  	s23 =	simm.s32 $0x1;
	s28 =	simm.s32 $0x5;
	s29 =	simm.s32 $0x6  }
0xa: {  	s30 =	simm.s32 $0x7;
	s31 =	simm.s32 $0x8;
	s4 =	sand.u32 $0x1, s3  }
0xb: {  	s3 =	simm.s32 $0x0;
	s6 =	sshll.u32 s7, $0x4;
	s5 =	sshll.u32 s4, $0x4  }
0xc: {  	[smem:$0x7FF] =	sst s3;
	s6 =	sand.u32 $0x70, s6;
	s4 =	ssub.s32 $0x2, s4  }
0xd: {  	s5 =	sor.u32 s7, s5;
	_ =	strace $0x80000047;
	s2 =	sadd.s32 s6, s2  }
0xe: {  	s25 =	sshrl.u32 s4, $0x1;
	s7 =	sshll.u32 s5, $0x4;
	s5 =	sshll.u32 s5, $0x6  }
0xf: {  	s26 =	ssub.s32 s4, s25;
	s25 =	simm.s32 $0x3;
	s24 =	sand.u32 $0x180, s7  }
0x10: {  	s4 =	sadd.s32 s0, s5;
	s6 =	smax.u32 s26, $0x1;
	s7 =	simm.s32 $0x9  }
0x11: {  	s26 =	simm.s32 $0x4;
	s0 =	simm.s32 $0x10200;
	s2 =	sadd.s32 s24, s2  }
0x12: {  	s24 =	simm.s32 $0x2;
	s5 =	sadd.s32 $0x200, s2;
	s2 =	simm.s32 $0x0  }
.LBB2_1:
0x13: {  	[tilespmem:s3], [sflag:$0x9] =	stream.linear.gather [hbm4b:s4+s3], $0x200, $0x38;
	[tilespmem:$0x10280] =	vst v63  }
0x14: {  	_ =	swait.ge [sflag:s7], $0x200  }
0x15: {  	[sflag:s7] =	ssyncset.done $0x0  }
0x16: {  	s9 =	simm.s32 $0x200;
	[sflag:s7] =	ssyncadd.s32 $0xFFFFFE00  }
0x17: {  	[tilespmem:s9], [sflag:$0x1] =	stream.indirect.gather [hbm4b:s1+s8], $0x80, s3, s8, $0xb8;
	[tilespmem:$0x10280] =	vst v63  }
0x18: {  	s10 =	simm.s32 $0x2200  }
0x19: {  	[tilespmem:s10], [sflag:$0x2] =	stream.indirect.gather [hbm4b:s1+s8], $0x80, s8, s8, $0xb8;
	[tilespmem:$0x10280] =	vst v63  }
0x1a: {  	s11 =	simm.s32 $0x80  }
0x1b: {  	[tilespmem:s12], [sflag:$0x3] =	stream.indirect.gather [hbm4b:s1+s8], $0x80, s11, s8, $0xb8;
	[tilespmem:$0x10280] =	vst v63  }
0x1c: {  	_ = 	snop  }
0x1d: {  	[tilespmem:s14], [sflag:$0x4] =	stream.indirect.gather [hbm4b:s1+s8], $0x80, s13, s8, $0xb8;
	[tilespmem:$0x10280] =	vst v63  }
0x1e: {  	_ = 	snop  }
0x1f: {  	[tilespmem:s16], [sflag:$0x5] =	stream.indirect.gather [hbm4b:s1+s8], $0x80, s15, s8, $0xb8;
	[tilespmem:$0x10280] =	vst v63  }
0x20: {  	_ = 	snop  }
0x21: {  	[tilespmem:s18], [sflag:$0x6] =	stream.indirect.gather [hbm4b:s1+s8], $0x80, s17, s8, $0xb8;
	[tilespmem:$0x10280] =	vst v63  }
0x22: {  	_ = 	snop  }
0x23: {  	[tilespmem:s20], [sflag:$0x7] =	stream.indirect.gather [hbm4b:s1+s8], $0x80, s19, s8, $0xb8;
	[tilespmem:$0x10280] =	vst v63  }
0x24: {  	_ = 	snop  }
0x25: {  	[tilespmem:s22], [sflag:$0x8] =	stream.indirect.gather [hbm4b:s1+s8], $0x80, s21, s8, $0xb8;
	[tilespmem:$0x10280] =	vst v63  }
0x26: {  	_ =	swait.ge [sflag:s23], $0x2000  }
0x27: {  	[sflag:s23] =	ssyncset.done $0x0  }
0x28: {  	s11 =	simm.s32 $0x0;
	[sflag:s23] =	ssyncadd.s32 $0xFFFFE000  }
0x29: {  	v0 =	vld [tilespmem:s11+$0x270]  }
0x2a: {  	v2 =	vld [tilespmem:s11+$0x200]  }
0x2b: {  	v4 =	vld [tilespmem:s11+$0x210]  }
0x2c: {  	v5 =	vld [tilespmem:s11+$0x220]  }
0x2d: {  	v8 =	vld [tilespmem:s11+$0x230]  }
0x2e: {  	v3 =	vimm.f32 $0.0e+00;
	v9 =	vimm.f32 $0.0e+00;
	v6 =	vld [tilespmem:s11+$0x240]  }
0x2f: {  	v10 =	vimm.f32 $0.0e+00;
	v7 =	vimm.f32 $0.0e+00;
	v11 =	vld [tilespmem:s11+$0x250];
	v1 =	vadd.f32 v0, v3  }
0x30: {  	s9 =	simm.s32 $0x80;
	s10 =	simm.s32 $0x400;
	v12 =	vld [tilespmem:s11+$0x260];
	v0 =	vadd.f32 v2, v3;
	v2 =	vadd.f32 v4, v3;
	v4 =	vimm.f32 $0.0e+00  }
.LBB2_2:
0x31: {  	p0 =	sne.s32 s10, $0x7E00;
	v13 =	vld [tilespmem:s9+$0x270];
	v3 =	vadd.f32 v5, v3  }
0x32: {  	v14 =	vld [tilespmem:s9+$0x200];
	v4 =	vadd.f32 v8, v4  }
0x33: {  	v15 =	vld [tilespmem:s9+$0x210];
	v9 =	vadd.f32 v6, v9  }
.Ltmp0:
0x34: {  	v5 =	vld [tilespmem:s9+$0x220];
	v10 =	vadd.f32 v11, v10;
	(pc) =	sbr.rel @p0 .LBB2_2-.Ltmp0, $4  }
0x35: {  	v8 =	vld [tilespmem:s9+$0x230];
	v7 =	vadd.f32 v12, v7  }
0x36: {  	v6 =	vld [tilespmem:s9+$0x240];
	v1 =	vadd.f32 v13, v1  }
0x37: {  	v0 =	vadd.f32 v14, v0;
	v11 =	vld [tilespmem:s9+$0x250]  }
0x38: {  	v2 =	vadd.f32 v15, v2;
	v12 =	vld [tilespmem:s9+$0x260];
	s9 =	sshra.s32 s10, $0x2;
	s10 =	sadd.s32 $0x200, s10  }
0x39: {  	v13 =	vld [tilespmem:s9+$0x270]  }
0x3a: {  	v14 =	vld [tilespmem:s9+$0x200]  }
0x3b: {  	v15 =	vld [tilespmem:s9+$0x210]  }
0x3c: {  	v16 =	vld [tilespmem:s9+$0x220]  }
0x3d: {  	v17 =	vld [tilespmem:s9+$0x230]  }
0x3e: {  	v18 =	vld [tilespmem:s9+$0x240]  }
0x3f: {  	v19 =	vld [tilespmem:s9+$0x250]  }
0x40: {  	v20 =	vld [tilespmem:s9+$0x260];
	_ =	swait.ge [sflag:s24], $0x2000  }
0x41: {  	[sflag:s24] =	ssyncset.done $0x0  }
0x42: {  	s11 =	simm.s32 $0x0;
	[sflag:s24] =	ssyncadd.s32 $0xFFFFE000  }
0x43: {  	v3 =	vadd.f32 v5, v3;
	v4 =	vadd.f32 v8, v4;
	v5 =	vld [tilespmem:s11+$0x2270]  }
0x44: {  	v6 =	vadd.f32 v6, v9;
	v10 =	vadd.f32 v11, v10;
	v21 =	vld [tilespmem:s11+$0x2200]  }
0x45: {  	v7 =	vadd.f32 v12, v7;
	v12 =	vld [tilespmem:s11+$0x2210];
	v11 =	vadd.f32 v13, v1  }
0x46: {  	v8 =	vld [tilespmem:s11+$0x2220];
	v13 =	vadd.f32 v14, v0;
	v14 =	vadd.f32 v15, v2  }
0x47: {  	v9 =	vld [tilespmem:s11+$0x2230];
	v0 =	vadd.f32 v16, v3;
	v1 =	vadd.f32 v17, v4  }
0x48: {  	v2 =	vadd.f32 v18, v6;
	v3 =	vadd.f32 v19, v10;
	v10 =	vld [tilespmem:s11+$0x2240]  }
0x49: {  	v4 =	vadd.f32 v20, v7;
	v5 =	vadd.f32 v5, v11;
	v11 =	vld [tilespmem:s11+$0x2250]  }
0x4a: {  	s9 =	simm.s32 $0x80;
	s10 =	simm.s32 $0x400;
	v6 =	vadd.f32 v21, v13;
	v7 =	vadd.f32 v12, v14;
	v12 =	vld [tilespmem:s11+$0x2260]  }
.LBB2_4:
0x4b: {  	p0 =	sne.s32 s10, $0x7E00;
	v13 =	vld [tilespmem:s9+$0x2270];
	v0 =	vadd.f32 v8, v0  }
0x4c: {  	v14 =	vld [tilespmem:s9+$0x2200];
	v1 =	vadd.f32 v9, v1  }
0x4d: {  	v15 =	vld [tilespmem:s9+$0x2210];
	v2 =	vadd.f32 v10, v2  }
.Ltmp1:
0x4e: {  	v8 =	vld [tilespmem:s9+$0x2220];
	v3 =	vadd.f32 v11, v3;
	(pc) =	sbr.rel @p0 .LBB2_4-.Ltmp1, $4  }
0x4f: {  	v9 =	vld [tilespmem:s9+$0x2230];
	v4 =	vadd.f32 v12, v4  }
0x50: {  	v10 =	vld [tilespmem:s9+$0x2240];
	v5 =	vadd.f32 v13, v5  }
0x51: {  	v6 =	vadd.f32 v14, v6;
	v11 =	vld [tilespmem:s9+$0x2250]  }
0x52: {  	v7 =	vadd.f32 v15, v7;
	v12 =	vld [tilespmem:s9+$0x2260];
	s9 =	sshra.s32 s10, $0x2;
	s10 =	sadd.s32 $0x200, s10  }
0x53: {  	v13 =	vld [tilespmem:s9+$0x2270]  }
0x54: {  	v14 =	vld [tilespmem:s9+$0x2200]  }
0x55: {  	v15 =	vld [tilespmem:s9+$0x2210]  }
0x56: {  	v16 =	vld [tilespmem:s9+$0x2220]  }
0x57: {  	v17 =	vld [tilespmem:s9+$0x2230]  }
0x58: {  	v18 =	vld [tilespmem:s9+$0x2240]  }
0x59: {  	v19 =	vld [tilespmem:s9+$0x2250]  }
0x5a: {  	v20 =	vld [tilespmem:s9+$0x2260];
	_ =	swait.ge [sflag:s25], $0x2000  }
0x5b: {  	[sflag:s25] =	ssyncset.done $0x0  }
0x5c: {  	s11 =	simm.s32 $0x0;
	[sflag:s25] =	ssyncadd.s32 $0xFFFFE000  }
0x5d: {  	v0 =	vadd.f32 v8, v0;
	v1 =	vadd.f32 v9, v1;
	v21 =	vld [tilespmem:s11+$0x4270]  }
0x5e: {  	v2 =	vadd.f32 v10, v2;
	v3 =	vadd.f32 v11, v3;
	v22 =	vld [tilespmem:s11+$0x4200]  }
0x5f: {  	v4 =	vadd.f32 v12, v4;
	v12 =	vld [tilespmem:s11+$0x4210];
	v5 =	vadd.f32 v13, v5  }
0x60: {  	v8 =	vld [tilespmem:s11+$0x4220];
	v6 =	vadd.f32 v14, v6;
	v7 =	vadd.f32 v15, v7  }
0x61: {  	v9 =	vld [tilespmem:s11+$0x4230];
	v0 =	vadd.f32 v16, v0;
	v1 =	vadd.f32 v17, v1  }
0x62: {  	v10 =	vld [tilespmem:s11+$0x4240];
	v2 =	vadd.f32 v18, v2;
	v3 =	vadd.f32 v19, v3  }
0x63: {  	v11 =	vld [tilespmem:s11+$0x4250];
	v4 =	vadd.f32 v20, v4;
	v5 =	vadd.f32 v21, v5  }
0x64: {  	s9 =	simm.s32 $0x80;
	s10 =	simm.s32 $0x400;
	v6 =	vadd.f32 v22, v6;
	v7 =	vadd.f32 v12, v7;
	v12 =	vld [tilespmem:s11+$0x4260]  }
.LBB2_6:
0x65: {  	p0 =	sne.s32 s10, $0x7E00;
	v13 =	vld [tilespmem:s9+$0x4270];
	v0 =	vadd.f32 v8, v0  }
0x66: {  	v14 =	vld [tilespmem:s9+$0x4200];
	v1 =	vadd.f32 v9, v1  }
0x67: {  	v15 =	vld [tilespmem:s9+$0x4210];
	v2 =	vadd.f32 v10, v2  }
.Ltmp2:
0x68: {  	v8 =	vld [tilespmem:s9+$0x4220];
	v3 =	vadd.f32 v11, v3;
	(pc) =	sbr.rel @p0 .LBB2_6-.Ltmp2, $4  }
0x69: {  	v9 =	vld [tilespmem:s9+$0x4230];
	v4 =	vadd.f32 v12, v4  }
0x6a: {  	v10 =	vld [tilespmem:s9+$0x4240];
	v5 =	vadd.f32 v13, v5  }
0x6b: {  	v6 =	vadd.f32 v14, v6;
	v11 =	vld [tilespmem:s9+$0x4250]  }
0x6c: {  	v7 =	vadd.f32 v15, v7;
	v12 =	vld [tilespmem:s9+$0x4260];
	s9 =	sshra.s32 s10, $0x2;
	s10 =	sadd.s32 $0x200, s10  }
0x6d: {  	v13 =	vld [tilespmem:s9+$0x4270]  }
0x6e: {  	v14 =	vld [tilespmem:s9+$0x4200]  }
0x6f: {  	v15 =	vld [tilespmem:s9+$0x4210]  }
0x70: {  	v16 =	vld [tilespmem:s9+$0x4220]  }
0x71: {  	v17 =	vld [tilespmem:s9+$0x4230]  }
0x72: {  	v18 =	vld [tilespmem:s9+$0x4240]  }
0x73: {  	v19 =	vld [tilespmem:s9+$0x4250]  }
0x74: {  	v20 =	vld [tilespmem:s9+$0x4260];
	_ =	swait.ge [sflag:s26], $0x2000  }
0x75: {  	[sflag:s26] =	ssyncset.done $0x0  }
0x76: {  	s11 =	simm.s32 $0x0;
	[sflag:s26] =	ssyncadd.s32 $0xFFFFE000  }
0x77: {  	v0 =	vadd.f32 v8, v0;
	v1 =	vadd.f32 v9, v1;
	v21 =	vld [tilespmem:s11+$0x6270]  }
0x78: {  	v2 =	vadd.f32 v10, v2;
	v3 =	vadd.f32 v11, v3;
	v22 =	vld [tilespmem:s11+$0x6200]  }
0x79: {  	v4 =	vadd.f32 v12, v4;
	v12 =	vld [tilespmem:s11+$0x6210];
	v5 =	vadd.f32 v13, v5  }
0x7a: {  	v8 =	vld [tilespmem:s11+$0x6220];
	v6 =	vadd.f32 v14, v6;
	v7 =	vadd.f32 v15, v7  }
0x7b: {  	v9 =	vld [tilespmem:s11+$0x6230];
	v0 =	vadd.f32 v16, v0;
	v1 =	vadd.f32 v17, v1  }
0x7c: {  	v10 =	vld [tilespmem:s11+$0x6240];
	v2 =	vadd.f32 v18, v2;
	v3 =	vadd.f32 v19, v3  }
0x7d: {  	v11 =	vld [tilespmem:s11+$0x6250];
	v4 =	vadd.f32 v20, v4;
	v5 =	vadd.f32 v21, v5  }
0x7e: {  	s9 =	simm.s32 $0x80;
	s10 =	simm.s32 $0x400;
	v6 =	vadd.f32 v22, v6;
	v7 =	vadd.f32 v12, v7;
	v12 =	vld [tilespmem:s11+$0x6260]  }
.LBB2_8:
0x7f: {  	p0 =	sne.s32 s10, $0x7E00;
	v13 =	vld [tilespmem:s9+$0x6270];
	v0 =	vadd.f32 v8, v0  }
0x80: {  	v14 =	vld [tilespmem:s9+$0x6200];
	v1 =	vadd.f32 v9, v1  }
0x81: {  	v15 =	vld [tilespmem:s9+$0x6210];
	v2 =	vadd.f32 v10, v2  }
.Ltmp3:
0x82: {  	v8 =	vld [tilespmem:s9+$0x6220];
	v3 =	vadd.f32 v11, v3;
	(pc) =	sbr.rel @p0 .LBB2_8-.Ltmp3, $4  }
0x83: {  	v9 =	vld [tilespmem:s9+$0x6230];
	v4 =	vadd.f32 v12, v4  }
0x84: {  	v10 =	vld [tilespmem:s9+$0x6240];
	v5 =	vadd.f32 v13, v5  }
0x85: {  	v6 =	vadd.f32 v14, v6;
	v11 =	vld [tilespmem:s9+$0x6250]  }
0x86: {  	v7 =	vadd.f32 v15, v7;
	v12 =	vld [tilespmem:s9+$0x6260];
	s9 =	sshra.s32 s10, $0x2;
	s10 =	sadd.s32 $0x200, s10  }
0x87: {  	v13 =	vld [tilespmem:s9+$0x6270]  }
0x88: {  	v14 =	vld [tilespmem:s9+$0x6200]  }
0x89: {  	v15 =	vld [tilespmem:s9+$0x6210]  }
0x8a: {  	v16 =	vld [tilespmem:s9+$0x6220]  }
0x8b: {  	v17 =	vld [tilespmem:s9+$0x6230]  }
0x8c: {  	v18 =	vld [tilespmem:s9+$0x6240]  }
0x8d: {  	v19 =	vld [tilespmem:s9+$0x6250]  }
0x8e: {  	v20 =	vld [tilespmem:s9+$0x6260];
	_ =	swait.ge [sflag:s28], $0x2000  }
0x8f: {  	[sflag:s28] =	ssyncset.done $0x0  }
0x90: {  	s11 =	simm.s32 $0x0;
	[sflag:s28] =	ssyncadd.s32 $0xFFFFE000  }
0x91: {  	v0 =	vadd.f32 v8, v0;
	v1 =	vadd.f32 v9, v1;
	v21 =	vld [tilespmem:s11+$0x8270]  }
0x92: {  	v2 =	vadd.f32 v10, v2;
	v3 =	vadd.f32 v11, v3;
	v22 =	vld [tilespmem:s11+$0x8200]  }
0x93: {  	v4 =	vadd.f32 v12, v4;
	v12 =	vld [tilespmem:s11+$0x8210];
	v5 =	vadd.f32 v13, v5  }
0x94: {  	v8 =	vld [tilespmem:s11+$0x8220];
	v6 =	vadd.f32 v14, v6;
	v7 =	vadd.f32 v15, v7  }
0x95: {  	v9 =	vld [tilespmem:s11+$0x8230];
	v0 =	vadd.f32 v16, v0;
	v1 =	vadd.f32 v17, v1  }
0x96: {  	v10 =	vld [tilespmem:s11+$0x8240];
	v2 =	vadd.f32 v18, v2;
	v3 =	vadd.f32 v19, v3  }
0x97: {  	v11 =	vld [tilespmem:s11+$0x8250];
	v4 =	vadd.f32 v20, v4;
	v5 =	vadd.f32 v21, v5  }
0x98: {  	s9 =	simm.s32 $0x80;
	s10 =	simm.s32 $0x400;
	v6 =	vadd.f32 v22, v6;
	v7 =	vadd.f32 v12, v7;
	v12 =	vld [tilespmem:s11+$0x8260]  }
.LBB2_10:
0x99: {  	p0 =	sne.s32 s10, $0x7E00;
	v13 =	vld [tilespmem:s9+$0x8270];
	v0 =	vadd.f32 v8, v0  }
0x9a: {  	v14 =	vld [tilespmem:s9+$0x8200];
	v1 =	vadd.f32 v9, v1  }
0x9b: {  	v15 =	vld [tilespmem:s9+$0x8210];
	v2 =	vadd.f32 v10, v2  }
.Ltmp4:
0x9c: {  	v8 =	vld [tilespmem:s9+$0x8220];
	v3 =	vadd.f32 v11, v3;
	(pc) =	sbr.rel @p0 .LBB2_10-.Ltmp4, $4  }
0x9d: {  	v9 =	vld [tilespmem:s9+$0x8230];
	v4 =	vadd.f32 v12, v4  }
0x9e: {  	v10 =	vld [tilespmem:s9+$0x8240];
	v5 =	vadd.f32 v13, v5  }
0x9f: {  	v6 =	vadd.f32 v14, v6;
	v11 =	vld [tilespmem:s9+$0x8250]  }
0xa0: {  	v7 =	vadd.f32 v15, v7;
	v12 =	vld [tilespmem:s9+$0x8260];
	s9 =	sshra.s32 s10, $0x2;
	s10 =	sadd.s32 $0x200, s10  }
0xa1: {  	v13 =	vld [tilespmem:s9+$0x8270]  }
0xa2: {  	v14 =	vld [tilespmem:s9+$0x8200]  }
0xa3: {  	v15 =	vld [tilespmem:s9+$0x8210]  }
0xa4: {  	v16 =	vld [tilespmem:s9+$0x8220]  }
0xa5: {  	v17 =	vld [tilespmem:s9+$0x8230]  }
0xa6: {  	v18 =	vld [tilespmem:s9+$0x8240]  }
0xa7: {  	v19 =	vld [tilespmem:s9+$0x8250]  }
0xa8: {  	v20 =	vld [tilespmem:s9+$0x8260];
	_ =	swait.ge [sflag:s29], $0x2000  }
0xa9: {  	[sflag:s29] =	ssyncset.done $0x0  }
0xaa: {  	s11 =	simm.s32 $0x0;
	[sflag:s29] =	ssyncadd.s32 $0xFFFFE000  }
0xab: {  	v0 =	vadd.f32 v8, v0;
	v1 =	vadd.f32 v9, v1;
	v21 =	vld [tilespmem:s11+$0xA270]  }
0xac: {  	v2 =	vadd.f32 v10, v2;
	v3 =	vadd.f32 v11, v3;
	v22 =	vld [tilespmem:s11+$0xA200]  }
0xad: {  	v4 =	vadd.f32 v12, v4;
	v12 =	vld [tilespmem:s11+$0xA210];
	v5 =	vadd.f32 v13, v5  }
0xae: {  	v8 =	vld [tilespmem:s11+$0xA220];
	v6 =	vadd.f32 v14, v6;
	v7 =	vadd.f32 v15, v7  }
0xaf: {  	v9 =	vld [tilespmem:s11+$0xA230];
	v0 =	vadd.f32 v16, v0;
	v1 =	vadd.f32 v17, v1  }
0xb0: {  	v10 =	vld [tilespmem:s11+$0xA240];
	v2 =	vadd.f32 v18, v2;
	v3 =	vadd.f32 v19, v3  }
0xb1: {  	v11 =	vld [tilespmem:s11+$0xA250];
	v4 =	vadd.f32 v20, v4;
	v5 =	vadd.f32 v21, v5  }
0xb2: {  	s9 =	simm.s32 $0x80;
	s10 =	simm.s32 $0x400;
	v6 =	vadd.f32 v22, v6;
	v7 =	vadd.f32 v12, v7;
	v12 =	vld [tilespmem:s11+$0xA260]  }
.LBB2_12:
0xb3: {  	p0 =	sne.s32 s10, $0x7E00;
	v13 =	vld [tilespmem:s9+$0xA270];
	v0 =	vadd.f32 v8, v0  }
0xb4: {  	v14 =	vld [tilespmem:s9+$0xA200];
	v1 =	vadd.f32 v9, v1  }
0xb5: {  	v15 =	vld [tilespmem:s9+$0xA210];
	v2 =	vadd.f32 v10, v2  }
.Ltmp5:
0xb6: {  	v8 =	vld [tilespmem:s9+$0xA220];
	v3 =	vadd.f32 v11, v3;
	(pc) =	sbr.rel @p0 .LBB2_12-.Ltmp5, $4  }
0xb7: {  	v9 =	vld [tilespmem:s9+$0xA230];
	v4 =	vadd.f32 v12, v4  }
0xb8: {  	v10 =	vld [tilespmem:s9+$0xA240];
	v5 =	vadd.f32 v13, v5  }
0xb9: {  	v6 =	vadd.f32 v14, v6;
	v11 =	vld [tilespmem:s9+$0xA250]  }
0xba: {  	v7 =	vadd.f32 v15, v7;
	v12 =	vld [tilespmem:s9+$0xA260];
	s9 =	sshra.s32 s10, $0x2;
	s10 =	sadd.s32 $0x200, s10  }
0xbb: {  	v13 =	vld [tilespmem:s9+$0xA270]  }
0xbc: {  	v14 =	vld [tilespmem:s9+$0xA200]  }
0xbd: {  	v15 =	vld [tilespmem:s9+$0xA210]  }
0xbe: {  	v16 =	vld [tilespmem:s9+$0xA220]  }
0xbf: {  	v17 =	vld [tilespmem:s9+$0xA230]  }
0xc0: {  	v18 =	vld [tilespmem:s9+$0xA240]  }
0xc1: {  	v19 =	vld [tilespmem:s9+$0xA250]  }
0xc2: {  	v20 =	vld [tilespmem:s9+$0xA260];
	_ =	swait.ge [sflag:s30], $0x2000  }
0xc3: {  	[sflag:s30] =	ssyncset.done $0x0  }
0xc4: {  	s11 =	simm.s32 $0x0;
	[sflag:s30] =	ssyncadd.s32 $0xFFFFE000  }
0xc5: {  	v0 =	vadd.f32 v8, v0;
	v1 =	vadd.f32 v9, v1;
	v21 =	vld [tilespmem:s11+$0xC270]  }
0xc6: {  	v2 =	vadd.f32 v10, v2;
	v3 =	vadd.f32 v11, v3;
	v22 =	vld [tilespmem:s11+$0xC200]  }
0xc7: {  	v4 =	vadd.f32 v12, v4;
	v12 =	vld [tilespmem:s11+$0xC210];
	v5 =	vadd.f32 v13, v5  }
0xc8: {  	v8 =	vld [tilespmem:s11+$0xC220];
	v6 =	vadd.f32 v14, v6;
	v7 =	vadd.f32 v15, v7  }
0xc9: {  	v9 =	vld [tilespmem:s11+$0xC230];
	v0 =	vadd.f32 v16, v0;
	v1 =	vadd.f32 v17, v1  }
0xca: {  	v10 =	vld [tilespmem:s11+$0xC240];
	v2 =	vadd.f32 v18, v2;
	v3 =	vadd.f32 v19, v3  }
0xcb: {  	v11 =	vld [tilespmem:s11+$0xC250];
	v4 =	vadd.f32 v20, v4;
	v5 =	vadd.f32 v21, v5  }
0xcc: {  	s9 =	simm.s32 $0x80;
	s10 =	simm.s32 $0x400;
	v6 =	vadd.f32 v22, v6;
	v7 =	vadd.f32 v12, v7;
	v12 =	vld [tilespmem:s11+$0xC260]  }
.LBB2_14:
0xcd: {  	p0 =	sne.s32 s10, $0x7E00;
	v13 =	vld [tilespmem:s9+$0xC270];
	v0 =	vadd.f32 v8, v0  }
0xce: {  	v14 =	vld [tilespmem:s9+$0xC200];
	v1 =	vadd.f32 v9, v1  }
0xcf: {  	v15 =	vld [tilespmem:s9+$0xC210];
	v2 =	vadd.f32 v10, v2  }
.Ltmp6:
0xd0: {  	v8 =	vld [tilespmem:s9+$0xC220];
	v3 =	vadd.f32 v11, v3;
	(pc) =	sbr.rel @p0 .LBB2_14-.Ltmp6, $4  }
0xd1: {  	v9 =	vld [tilespmem:s9+$0xC230];
	v4 =	vadd.f32 v12, v4  }
0xd2: {  	v10 =	vld [tilespmem:s9+$0xC240];
	v5 =	vadd.f32 v13, v5  }
0xd3: {  	v6 =	vadd.f32 v14, v6;
	v11 =	vld [tilespmem:s9+$0xC250]  }
0xd4: {  	v7 =	vadd.f32 v15, v7;
	v12 =	vld [tilespmem:s9+$0xC260];
	s9 =	sshra.s32 s10, $0x2;
	s10 =	sadd.s32 $0x200, s10  }
0xd5: {  	v13 =	vld [tilespmem:s9+$0xC270]  }
0xd6: {  	v14 =	vld [tilespmem:s9+$0xC200]  }
0xd7: {  	v15 =	vld [tilespmem:s9+$0xC210]  }
0xd8: {  	v16 =	vld [tilespmem:s9+$0xC220]  }
0xd9: {  	v17 =	vld [tilespmem:s9+$0xC230]  }
0xda: {  	v18 =	vld [tilespmem:s9+$0xC240]  }
0xdb: {  	v19 =	vld [tilespmem:s9+$0xC250]  }
0xdc: {  	v20 =	vld [tilespmem:s9+$0xC260];
	_ =	swait.ge [sflag:s31], $0x2000  }
0xdd: {  	[sflag:s31] =	ssyncset.done $0x0  }
0xde: {  	s11 =	simm.s32 $0x0;
	[sflag:s31] =	ssyncadd.s32 $0xFFFFE000  }
0xdf: {  	v0 =	vadd.f32 v8, v0;
	v1 =	vadd.f32 v9, v1;
	v9 =	vld [tilespmem:s11+$0xE270]  }
0xe0: {  	v2 =	vadd.f32 v10, v2;
	v8 =	vadd.f32 v11, v3;
	v10 =	vld [tilespmem:s11+$0xE200]  }
0xe1: {  	v11 =	vadd.f32 v12, v4;
	v12 =	vadd.f32 v13, v5;
	v13 =	vld [tilespmem:s11+$0xE210]  }
0xe2: {  	v14 =	vadd.f32 v14, v6;
	v15 =	vadd.f32 v15, v7;
	v6 =	vld [tilespmem:s11+$0xE220]  }
0xe3: {  	v5 =	vadd.f32 v16, v0;
	v4 =	vadd.f32 v17, v1;
	v7 =	vld [tilespmem:s11+$0xE230]  }
0xe4: {  	v3 =	vadd.f32 v18, v2;
	v2 =	vadd.f32 v19, v8;
	v8 =	vld [tilespmem:s11+$0xE240]  }
0xe5: {  	v1 =	vadd.f32 v20, v11;
	v0 =	vadd.f32 v9, v12;
	v9 =	vld [tilespmem:s11+$0xE250]  }
0xe6: {  	s9 =	simm.s32 $0x80;
	s10 =	simm.s32 $0x400;
	v10 =	vadd.f32 v10, v14;
	v12 =	vld [tilespmem:s11+$0xE260];
	v11 =	vadd.f32 v13, v15  }
.LBB2_16:
0xe7: {  	p0 =	sne.s32 s10, $0x7E00;
	v13 =	vld [tilespmem:s9+$0xE270];
	v5 =	vadd.f32 v6, v5  }
0xe8: {  	v14 =	vld [tilespmem:s9+$0xE200];
	v4 =	vadd.f32 v7, v4  }
0xe9: {  	v15 =	vld [tilespmem:s9+$0xE210];
	v3 =	vadd.f32 v8, v3  }
.Ltmp7:
0xea: {  	v6 =	vld [tilespmem:s9+$0xE220];
	v2 =	vadd.f32 v9, v2;
	(pc) =	sbr.rel @p0 .LBB2_16-.Ltmp7, $4  }
0xeb: {  	v7 =	vld [tilespmem:s9+$0xE230];
	v1 =	vadd.f32 v12, v1  }
0xec: {  	v8 =	vld [tilespmem:s9+$0xE240];
	v0 =	vadd.f32 v13, v0  }
0xed: {  	v10 =	vadd.f32 v14, v10;
	v9 =	vld [tilespmem:s9+$0xE250]  }
0xee: {  	v11 =	vadd.f32 v15, v11;
	v12 =	vld [tilespmem:s9+$0xE260];
	s9 =	sshra.s32 s10, $0x2;
	s10 =	sadd.s32 $0x200, s10  }
0xef: {  	v14 =	vld [tilespmem:s9+$0xE200]  }
0xf0: {  	v15 =	vld [tilespmem:s9+$0xE210]  }
0xf1: {  	v16 =	vld [tilespmem:s9+$0xE220]  }
0xf2: {  	v17 =	vld [tilespmem:s9+$0xE230]  }
0xf3: {  	v18 =	vld [tilespmem:s9+$0xE240]  }
0xf4: {  	v5 =	vadd.f32 v6, v5;
	v61 =	vld [tilespmem:s9+$0xE250];
	v60 =	vadd.f32 v14, v10  }
0xf5: {  	v13 =	vld [tilespmem:s9+$0xE270];
	v4 =	vadd.f32 v7, v4;
	v62 =	vadd.f32 v15, v11  }
0xf6: {  	v63 =	vld [tilespmem:s9+$0xE260];
	v3 =	vadd.f32 v8, v3;
	v5 =	vadd.f32 v16, v5;
	[tilespmem:$0x10200] =	vst v60  }
0xf7: {  	v2 =	vadd.f32 v9, v2;
	v4 =	vadd.f32 v17, v4;
	[tilespmem:$0x10210] =	vst v62  }
0xf8: {  	v3 =	vadd.f32 v18, v3;
	[tilespmem:$0x10220] =	vst v5  }
0xf9: {  	v1 =	vadd.f32 v12, v1;
	v2 =	vadd.f32 v61, v2;
	[tilespmem:$0x10230] =	vst v4  }
0xfa: {  	v0 =	vadd.f32 v13, v0;
	[tilespmem:$0x10240] =	vst v3  }
0xfb: {  	s2 =	sadd.s32 $0x1, s2;
	v1 =	vadd.f32 v63, v1;
	[tilespmem:$0x10250] =	vst v2  }
0xfc: {  	p0 =	sne.s32 s2, s6;
	[tilespmem:$0x10270] =	vst v0  }
.Ltmp8:
0xfd: {  	[tilespmem:$0x10260] =	vst v1;
	(pc) =	sbr.rel @p0 .LBB2_1-.Ltmp8, $4  }
0xfe: {  	[hbm4b:s5+s3] =	stream.linear.scatter [tilespmem:s0], [sflag:$0x9], $0x80, $0x38;
	[tilespmem:$0x10280] =	vst v63  }
0xff: {  	_ =	swait.ge [sflag:s7], $0x80  }
0x100: {  	[sflag:s7] =	ssyncset.done $0x0  }
0x101: {  	[sflag:s7] =	ssyncadd.s32 $0xFFFFFF80  }
0x102: {  	_ =	sfence.sel $0x180000  }
0x103: {  	[bflag:$0x0] =	sbarrier.arrive $0xFFFF  }
0x104: {  	_ =	strace $0x90000047  }
0x105: {  	s0 =	stileid.u32;
	[bflag:$0x2] =	sbarrier.arrive $0xFFFF  }
0x106: {  	p0 =	sne.s32 s0, $0x0;
	s0 =	rddreg [dreg:$0x3]  }
0x107: {  	s0 =	sadd.s32 @!p0 $0x100000, s0  }
0x108: {  	[sflag:s0] =	ssyncadd.tile.s32 @!p0 $0x1;
	_ =	shalt  }
.Lfunc_end2:
_tile_overlayer_lowered:
.L_overlay_start_2:
0x109: {  	(tag) =	ssettag $0x2  }
0x10a: {  	s0 =	rddreg [dreg:$0x0];
	s2 =	stileid.u32  }
0x10b: {  	s1 =	rddreg [dreg:$0x1];
	p0 =	sne.s32 s2, $0x0  }
0x10c: {  	s3 =	rddreg [dreg:$0x2];
	[bflag:$0x3] =	sbarrier.arrive $0xFFFF;
	s2 =	simm.s32 @!p0 $0x1C09  }
0x10d: {  	[timem:s3], [sflag:s2] =	dma.local @!p0 [hbm:s0], s1  }
0x10e: {  	s0 =	simm.s32 @!p0 $0x9  }
0x10f: {  	_ =	swait.ge @!p0 [sflag:s0], s1  }
0x110: {  	s1 =	ssub.s32 @!p0 $0x0, s1;
	[sflag:s0] =	ssyncset.done @!p0 $0x0  }
0x111: {  	[sflag:s0] =	ssyncadd.s32 @!p0 s1  }
0x112: {  	[bflag:$0x3] =	sbarrier.arrive $0xFFFF  }
0x113: {  	_ =	shalt  }

</sc_bundles>
